<compile_context>
chip_gen: v7x
topology: tpu7x:2x2x1
jax: 0.10.2.dev20260603
libtpu: 0.0.44.dev20260713+nightly
codegen_flags: <defaults>
</compile_context>

<pallas_src>
import functools

import jax
import jax.numpy as jnp
from jax import lax
from jax.experimental import pallas as pl
from jax.experimental.pallas import tpu as pltpu
from jax.experimental.pallas import tpu_sc as plsc

_N = 10000
_E = 320000
_D = 128
_C = 40
_CP = 128

_CH = 128
_NSC = 2
_NT = 16
_K = 79
_EPAD = _NSC * _NT * _K * _CH - _E
_RT = 632
_NP = _NT * _RT

_mesh = plsc.VectorSubcoreMesh(core_axis_name="c", subcore_axis_name="s")


def _deg_body(dst_hbm, ones_hbm, z_hbm, out_hbm, dsti, ones_v, acc):
    c = lax.axis_index("c")
    s = lax.axis_index("s")
    pltpu.sync_copy(ones_hbm, ones_v)
    pltpu.sync_copy(dst_hbm.at[c, s], dsti)
    pltpu.sync_copy(z_hbm.at[pl.ds(s * _RT, _RT)], acc.at[pl.ds(s * _RT, _RT)])
    plsc.subcore_barrier()

    def body(k, carry):
        pltpu.sync_copy(ones_v, acc.at[dsti.at[k]], add=True)
        return carry

    lax.fori_loop(0, _K, body, 0)
    plsc.subcore_barrier()
    pltpu.sync_copy(acc.at[pl.ds(s * _RT, _RT)],
                    out_hbm.at[c, pl.ds(s * _RT, _RT)])


_deg_kernel = functools.partial(
    pl.kernel,
    out_type=jax.ShapeDtypeStruct((_NSC, _NP, _D), jnp.float32),
    mesh=_mesh,
    scratch_types=[
        pltpu.VMEM((_K, _CH), jnp.int32),
        pltpu.VMEM((_CH, _D), jnp.float32),
        pltpu.VMEM_SHARED((_NP, _D), jnp.float32),
    ],
)(_deg_body)


def _make_agg(d):
    def body(src_hbm, dst_hbm, table_hbm, z_hbm, out_hbm, srci, dsti, row,
             acc):
        c = lax.axis_index("c")
        s = lax.axis_index("s")
        pltpu.sync_copy(src_hbm.at[c, s], srci)
        pltpu.sync_copy(dst_hbm.at[c, s], dsti)
        pltpu.sync_copy(z_hbm.at[pl.ds(s * _RT, _RT)],
                        acc.at[pl.ds(s * _RT, _RT)])
        plsc.subcore_barrier()

        def chunk(k, carry):
            pltpu.sync_copy(table_hbm.at[srci.at[k]], row)
            pltpu.sync_copy(row, acc.at[dsti.at[k]], add=True)
            return carry

        lax.fori_loop(0, _K, chunk, 0)
        plsc.subcore_barrier()
        pltpu.sync_copy(acc.at[pl.ds(s * _RT, _RT)],
                        out_hbm.at[c, pl.ds(s * _RT, _RT)])

    return pl.kernel(
        body,
        out_type=jax.ShapeDtypeStruct((_NSC, _NP, d), jnp.float32),
        mesh=_mesh,
        scratch_types=[
            pltpu.VMEM((_K, _CH), jnp.int32),
            pltpu.VMEM((_K, _CH), jnp.int32),
            pltpu.VMEM((_CH, d), jnp.float32),
            pltpu.VMEM_SHARED((_NP, d), jnp.float32),
        ],
    )


_agg128 = _make_agg(_D)

_R = 1000


def _dinv_of(cnt_ref):
    deg = cnt_ref[0, :, 0:1] + cnt_ref[1, :, 0:1] + 1.0
    return lax.rsqrt(deg)


def _tc1_body(x_ref, w_ref, cnt_ref, o_ref):
    dinv = _dinv_of(cnt_ref)
    o_ref[...] = jnp.dot(x_ref[...], w_ref[...],
                         preferred_element_type=jnp.float32) * dinv


def _tc_mid_body(p_ref, g_ref, cnt_ref, b_ref, w_ref, o_ref):
    dinv = _dinv_of(cnt_ref)
    svec = p_ref[0] + p_ref[1] + g_ref[...]
    h = jnp.maximum(svec * dinv + b_ref[...][None, :], 0.0)
    o_ref[...] = jnp.dot(h, w_ref[...],
                         preferred_element_type=jnp.float32) * dinv


def _tc4_body(p_ref, g_ref, cnt_ref, b_ref, o_ref):
    dinv = _dinv_of(cnt_ref)
    z = (p_ref[0] + p_ref[1] + g_ref[...]) * dinv + b_ref[...][None, :]
    col = lax.broadcasted_iota(jnp.int32, z.shape, 1)
    zm = jnp.where(col < _C, z, -jnp.inf)
    m = jnp.max(zm, axis=1, keepdims=True)
    ez = jnp.where(col < _C, jnp.exp(z - m), 0.0)
    lse = jnp.log(jnp.sum(ez, axis=1, keepdims=True))
    o_ref[...] = z - m - lse


def _row_spec(w):
    return pl.BlockSpec((_R, w), lambda i: (i, 0))


def _cnt_spec():
    return pl.BlockSpec((_NSC, _R, _D), lambda i: (0, i, 0))


def _full_spec(shape):
    nd = len(shape)
    return pl.BlockSpec(shape, lambda i: (0,) * nd)


def kernel(x, edge_index, W1, b1, W2, b2, W3, b3):
    src = jnp.concatenate(
        [edge_index[0], jnp.zeros((_EPAD,), jnp.int32)]
    ).reshape(_NSC, _NT, _K, _CH)
    dst = jnp.concatenate(
        [edge_index[1], jnp.full((_EPAD,), _N, jnp.int32)]
    ).reshape(_NSC, _NT, _K, _CH)

    ones128 = jnp.ones((_CH, _D), jnp.float32)
    z128 = jnp.zeros((_NP, _D), jnp.float32)
    W3p = jnp.concatenate([W3, jnp.zeros((_D, _CP - _C), jnp.float32)], axis=1)
    b3p = jnp.concatenate([b3, jnp.zeros((_CP - _C,), jnp.float32)])

    counts = _deg_kernel(dst, ones128, z128)

    g1 = pl.pallas_call(
        _tc1_body,
        grid=(_N // _R,),
        in_specs=[_row_spec(_D), _full_spec((_D, _D)), _cnt_spec()],
        out_specs=_row_spec(_D),
        out_shape=jax.ShapeDtypeStruct((_N, _D), jnp.float32),
    )(x, W1, counts)

    p1 = _agg128(src, dst, g1, z128)

    def mid(p, g, b, w, wout):
        return pl.pallas_call(
            _tc_mid_body,
            grid=(_N // _R,),
            in_specs=[
                pl.BlockSpec((_NSC, _R, _D), lambda i: (0, i, 0)),
                _row_spec(_D),
                _cnt_spec(),
                _full_spec((_D,)),
                _full_spec((_D, wout)),
            ],
            out_specs=_row_spec(wout),
            out_shape=jax.ShapeDtypeStruct((_N, wout), jnp.float32),
        )(p, g, counts, b, w)

    g2 = mid(p1, g1, b1, W2, _D)
    p2 = _agg128(src, dst, g2, z128)
    g3 = mid(p2, g2, b2, W3p, _CP)
    p3 = _agg128(src, dst, g3, z128)

    out = pl.pallas_call(
        _tc4_body,
        grid=(_N // _R,),
        in_specs=[
            pl.BlockSpec((_NSC, _R, _CP), lambda i: (0, i, 0)),
            _row_spec(_CP),
            _cnt_spec(),
            _full_spec((_CP,)),
        ],
        out_specs=_row_spec(_CP),
        out_shape=jax.ShapeDtypeStruct((_N, _CP), jnp.float32),
    )(p3, g3, counts, b3p)

    return out[:, :_C]

# --- scband reference (transcript-rebuilt; emitter-appended) ---
"""Pipeline reference for scband-gcnnet-11647951307336 (READ-ONLY COPY).

The authoritative reference and input builder live on the scoring server;
editing this copy changes nothing except your own understanding.
"""

import jax, jax.numpy as jnp
import numpy as np

N, E, D, H, C = 10000, 320000, 128, 128, 40


def gcn_conv(x, edge_index, W, b):
    n = x.shape[0]
    loop = jnp.arange(n, dtype=edge_index.dtype)
    src = jnp.concatenate([edge_index[0], loop])
    dst = jnp.concatenate([edge_index[1], loop])
    deg = jax.ops.segment_sum(jnp.ones(src.shape[0], dtype=x.dtype), dst, num_segments=n)
    dinv = jnp.where(deg > 0, 1.0 / jnp.sqrt(deg), 0.0)
    norm = dinv[src] * dinv[dst]
    h = x @ W
    msgs = h[src] * norm[:, None]
    out = jax.ops.segment_sum(msgs, dst, num_segments=n)
    return out + b


def setup_inputs(seed: int = 0):
    key = jax.random.key(seed)
    ks = jax.random.split(key, 8)
    x = jax.random.normal(ks[0], (N, D), dtype=jnp.float32)
    edge_index = jax.random.randint(ks[1], (2, E), 0, N, dtype=jnp.int32)
    W1 = jax.random.normal(ks[2], (D, H), dtype=jnp.float32) * (1.0 / np.sqrt(D))
    b1 = jnp.zeros((H,), dtype=jnp.float32)
    W2 = jax.random.normal(ks[3], (H, H), dtype=jnp.float32) * (1.0 / np.sqrt(H))
    b2 = jnp.zeros((H,), dtype=jnp.float32)
    W3 = jax.random.normal(ks[4], (H, C), dtype=jnp.float32) * (1.0 / np.sqrt(H))
    b3 = jnp.zeros((C,), dtype=jnp.float32)
    return {"x": x, "edge_index": edge_index, "W1": W1, "b1": b1, "W2": W2, "b2": b2, "W3": W3, "b3": b3}


def reference(x, edge_index, W1, b1, W2, b2, W3, b3):
    # Inference mode: dropout is identity (training=False)
    h = jax.nn.relu(gcn_conv(x, edge_index, W1, b1))
    h = jax.nn.relu(gcn_conv(h, edge_index, W2, b2))
    h = gcn_conv(h, edge_index, W3, b3)
    return jax.nn.log_softmax(h, axis=1)

if __name__ == "__main__":
    import jax
    _d = setup_inputs()
    print(jax.jit(kernel)(*tuple(_d.values())))

</pallas_src>

<mosaic_0001>
#map = affine_map<(d0, d1) -> (0, 0, 0, 0)>
#map1 = affine_map<(d0, d1) -> (0, 0)>
#map2 = affine_map<(d0, d1) -> (0, 0, 0)>
module attributes {stable_mosaic.version = 14 : i64} {
  func.func @_deg_body(%arg0: i32, %arg1: i32, %arg2: memref<2x16x79x128xi32, #tpu.memory_space<hbm>>, %arg3: memref<128x128xf32, #tpu.memory_space<hbm>>, %arg4: memref<10112x128xf32, #tpu.memory_space<hbm>>, %arg5: memref<2x10112x128xf32, #tpu.memory_space<hbm>>, %arg6: memref<79x128xi32, #tpu.memory_space<vmem>>, %arg7: memref<128x128xf32, #tpu.memory_space<vmem>>, %arg8: memref<10112x128xf32, #tpu.memory_space<vmem_shared>>) attributes {dimension_semantics = [#tpu.dimension_semantics<core_parallel>, #tpu.dimension_semantics<subcore_parallel>], iteration_bounds = array<i64: 2, 16>, scalar_prefetch = 0 : i64, scratch_operands = 3 : i64, tpu.core_type = #tpu.core_type<sc_vector_subcore>, window_params = [{transform_indices = #map}, {transform_indices = #map1}, {transform_indices = #map1}, {transform_indices = #map2}]} {
    "tpu.region"() ({
      %run_scoped3A = tpu.sem_alloc : memref<!tpu.dma_semaphore, #tpu.memory_space<semaphore_mem>>
      tpu.enqueue_dma source(%arg3 : memref<128x128xf32, #tpu.memory_space<hbm>>) target(%arg7 : memref<128x128xf32, #tpu.memory_space<vmem>>) target_semaphore(%run_scoped3A : memref<!tpu.dma_semaphore, #tpu.memory_space<semaphore_mem>>)
      tpu.wait_dma2 semaphore(%run_scoped3A : memref<!tpu.dma_semaphore, #tpu.memory_space<semaphore_mem>>) src(%arg3 : memref<128x128xf32, #tpu.memory_space<hbm>>) dst(%arg7 : memref<128x128xf32, #tpu.memory_space<vmem>>)
      tpu.yield
    }) : () -> ()
    "tpu.region"() ({
      %run_scoped3A = tpu.sem_alloc : memref<!tpu.dma_semaphore, #tpu.memory_space<semaphore_mem>>
      %dma_start3A = arith.constant 0 : i32
      %dma_start3A_13 = arith.constant 0 : i32
      %dma_start3A_14 = tpu.memref_slice %arg2[%arg0, %arg1, %dma_start3A, %dma_start3A_13] : memref<2x16x79x128xi32, #tpu.memory_space<hbm>> -> memref<1x1x79x128xi32, #tpu.memory_space<hbm>>
      %dma_start3A_15 = tpu.memref_squeeze %dma_start3A_14 : memref<1x1x79x128xi32, #tpu.memory_space<hbm>> -> memref<79x128xi32, #tpu.memory_space<hbm>>
      %dma_start3A_16 = arith.constant 0 : i32
      %dma_start3A_17 = arith.constant 0 : i32
      %dma_start3A_18 = tpu.memref_slice %arg2[%arg0, %arg1, %dma_start3A_16, %dma_start3A_17] : memref<2x16x79x128xi32, #tpu.memory_space<hbm>> -> memref<1x1x79x128xi32, #tpu.memory_space<hbm>>
      %dma_start3A_19 = tpu.memref_squeeze %dma_start3A_18 : memref<1x1x79x128xi32, #tpu.memory_space<hbm>> -> memref<79x128xi32, #tpu.memory_space<hbm>>
      tpu.enqueue_dma source(%dma_start3A_19 : memref<79x128xi32, #tpu.memory_space<hbm>>) target(%arg6 : memref<79x128xi32, #tpu.memory_space<vmem>>) target_semaphore(%run_scoped3A : memref<!tpu.dma_semaphore, #tpu.memory_space<semaphore_mem>>)
      %dma_wait3A = arith.constant 0 : i32
      %dma_wait3A_20 = arith.constant 0 : i32
      %dma_wait3A_21 = tpu.memref_slice %arg2[%arg0, %arg1, %dma_wait3A, %dma_wait3A_20] : memref<2x16x79x128xi32, #tpu.memory_space<hbm>> -> memref<1x1x79x128xi32, #tpu.memory_space<hbm>>
      %dma_wait3A_22 = tpu.memref_squeeze %dma_wait3A_21 : memref<1x1x79x128xi32, #tpu.memory_space<hbm>> -> memref<79x128xi32, #tpu.memory_space<hbm>>
      %dma_wait3A_23 = arith.constant 0 : i32
      %dma_wait3A_24 = arith.constant 0 : i32
      %dma_wait3A_25 = tpu.memref_slice %arg2[%arg0, %arg1, %dma_wait3A_23, %dma_wait3A_24] : memref<2x16x79x128xi32, #tpu.memory_space<hbm>> -> memref<1x1x79x128xi32, #tpu.memory_space<hbm>>
      %dma_wait3A_26 = tpu.memref_squeeze %dma_wait3A_25 : memref<1x1x79x128xi32, #tpu.memory_space<hbm>> -> memref<79x128xi32, #tpu.memory_space<hbm>>
      tpu.wait_dma2 semaphore(%run_scoped3A : memref<!tpu.dma_semaphore, #tpu.memory_space<semaphore_mem>>) src(%dma_wait3A_26 : memref<79x128xi32, #tpu.memory_space<hbm>>) dst(%arg6 : memref<79x128xi32, #tpu.memory_space<vmem>>)
      tpu.yield
    }) : () -> ()
    %mul3A = arith.constant 632 : i32
    %mul3A_0 = arith.muli %arg1, %mul3A : i32
    %mul3A_1 = arith.constant 632 : i32
    %mul3A_2 = arith.muli %arg1, %mul3A_1 : i32
    "tpu.region"() ({
      %run_scoped3A = tpu.sem_alloc : memref<!tpu.dma_semaphore, #tpu.memory_space<semaphore_mem>>
      %dma_start3A = arith.constant 0 : i32
      %dma_start3A_13 = tpu.memref_slice %arg8[%mul3A_2, %dma_start3A] : memref<10112x128xf32, #tpu.memory_space<vmem_shared>> -> memref<632x128xf32, #tpu.memory_space<vmem_shared>>
      %dma_start3A_14 = arith.constant 0 : i32
      %dma_start3A_15 = tpu.memref_slice %arg4[%mul3A_0, %dma_start3A_14] : memref<10112x128xf32, #tpu.memory_space<hbm>> -> memref<632x128xf32, #tpu.memory_space<hbm>>
      tpu.enqueue_dma source(%dma_start3A_15 : memref<632x128xf32, #tpu.memory_space<hbm>>) target(%dma_start3A_13 : memref<632x128xf32, #tpu.memory_space<vmem_shared>>) target_semaphore(%run_scoped3A : memref<!tpu.dma_semaphore, #tpu.memory_space<semaphore_mem>>)
      %dma_wait3A = arith.constant 0 : i32
      %dma_wait3A_16 = tpu.memref_slice %arg8[%mul3A_2, %dma_wait3A] : memref<10112x128xf32, #tpu.memory_space<vmem_shared>> -> memref<632x128xf32, #tpu.memory_space<vmem_shared>>
      %dma_wait3A_17 = arith.constant 0 : i32
      %dma_wait3A_18 = tpu.memref_slice %arg4[%mul3A_0, %dma_wait3A_17] : memref<10112x128xf32, #tpu.memory_space<hbm>> -> memref<632x128xf32, #tpu.memory_space<hbm>>
      tpu.wait_dma2 semaphore(%run_scoped3A : memref<!tpu.dma_semaphore, #tpu.memory_space<semaphore_mem>>) src(%dma_wait3A_18 : memref<632x128xf32, #tpu.memory_space<hbm>>) dst(%dma_wait3A_16 : memref<632x128xf32, #tpu.memory_space<vmem_shared>>)
      tpu.yield
    }) : () -> ()
    %barrier3A = arith.constant 0 : index
    tpu.barrier barrier_id(%barrier3A)
    %scan3A = arith.constant 0 : i32
    %scan3A_3 = arith.constant 0 : i32
    %scan3A_4 = arith.constant 79 : i32
    %scan3A_5 = arith.addi %scan3A_3, %scan3A_4 : i32
    %scan3A_6 = arith.constant 1 : i32
    scf.for %scan3A_13 = %scan3A_3 to %scan3A_5 step %scan3A_6  : i32 {
      "tpu.region"() ({
        %run_scoped3A = tpu.sem_alloc : memref<!tpu.dma_semaphore, #tpu.memory_space<semaphore_mem>>
        %dma_start3A = arith.constant 0 : i32
        %dma_start3A_14 = tpu.memref_slice %arg6[%scan3A_13, %dma_start3A] : memref<79x128xi32, #tpu.memory_space<vmem>> -> memref<1x128xi32, #tpu.memory_space<vmem>>
        %dma_start3A_15 = tpu.memref_squeeze %dma_start3A_14 : memref<1x128xi32, #tpu.memory_space<vmem>> -> memref<128xi32, #tpu.memory_space<vmem>>
        %dma_start3A_16 = arith.constant 0 : i32
        %dma_start3A_17 = arith.constant 0 : i32
        %dma_start3A_18 = tpu.memref_slice %arg8[%dma_start3A_16, %dma_start3A_17] : memref<10112x128xf32, #tpu.memory_space<vmem_shared>> -> memref<10112x128xf32, #tpu.memory_space<vmem_shared>>
        tpu.enqueue_indirect_dma source(%arg7 : memref<128x128xf32, #tpu.memory_space<vmem>>) target(%dma_start3A_18 : memref<10112x128xf32, #tpu.memory_space<vmem_shared>>) offsets(%dma_start3A_15 : memref<128xi32, #tpu.memory_space<vmem>>) semaphore(%run_scoped3A : memref<!tpu.dma_semaphore, #tpu.memory_space<semaphore_mem>>) {add = true}
        %dma_wait3A = arith.constant 0 : i32
        %dma_wait3A_19 = tpu.memref_slice %arg6[%scan3A_13, %dma_wait3A] : memref<79x128xi32, #tpu.memory_space<vmem>> -> memref<1x128xi32, #tpu.memory_space<vmem>>
        %dma_wait3A_20 = tpu.memref_squeeze %dma_wait3A_19 : memref<1x128xi32, #tpu.memory_space<vmem>> -> memref<128xi32, #tpu.memory_space<vmem>>
        %dma_wait3A_21 = arith.constant 0 : i32
        %dma_wait3A_22 = arith.constant 0 : i32
        %dma_wait3A_23 = tpu.memref_slice %arg8[%dma_wait3A_21, %dma_wait3A_22] : memref<10112x128xf32, #tpu.memory_space<vmem_shared>> -> memref<10112x128xf32, #tpu.memory_space<vmem_shared>>
        tpu.wait_indirect_dma semaphore(%run_scoped3A : memref<!tpu.dma_semaphore, #tpu.memory_space<semaphore_mem>>) src(%arg7 : memref<128x128xf32, #tpu.memory_space<vmem>>) dst(%dma_wait3A_23 : memref<10112x128xf32, #tpu.memory_space<vmem_shared>>)
        tpu.yield
      }) : () -> ()
    }
    %scan3A_7 = arith.constant 79 : i32
    %barrier3A_8 = arith.constant 0 : index
    tpu.barrier barrier_id(%barrier3A_8)
    %mul3A_9 = arith.constant 632 : i32
    %mul3A_10 = arith.muli %arg1, %mul3A_9 : i32
    %mul3A_11 = arith.constant 632 : i32
    %mul3A_12 = arith.muli %arg1, %mul3A_11 : i32
    "tpu.region"() ({
      %run_scoped3A = tpu.sem_alloc : memref<!tpu.dma_semaphore, #tpu.memory_space<semaphore_mem>>
      %dma_start3A = arith.constant 0 : i32
      %dma_start3A_13 = tpu.memref_slice %arg5[%arg0, %mul3A_12, %dma_start3A] : memref<2x10112x128xf32, #tpu.memory_space<hbm>> -> memref<1x632x128xf32, #tpu.memory_space<hbm>>
      %dma_start3A_14 = tpu.memref_squeeze %dma_start3A_13 : memref<1x632x128xf32, #tpu.memory_space<hbm>> -> memref<632x128xf32, #tpu.memory_space<hbm>>
      %dma_start3A_15 = arith.constant 0 : i32
      %dma_start3A_16 = tpu.memref_slice %arg8[%mul3A_10, %dma_start3A_15] : memref<10112x128xf32, #tpu.memory_space<vmem_shared>> -> memref<632x128xf32, #tpu.memory_space<vmem_shared>>
      tpu.enqueue_dma source(%dma_start3A_16 : memref<632x128xf32, #tpu.memory_space<vmem_shared>>) target(%dma_start3A_14 : memref<632x128xf32, #tpu.memory_space<hbm>>) target_semaphore(%run_scoped3A : memref<!tpu.dma_semaphore, #tpu.memory_space<semaphore_mem>>)
      %dma_wait3A = arith.constant 0 : i32
      %dma_wait3A_17 = tpu.memref_slice %arg5[%arg0, %mul3A_12, %dma_wait3A] : memref<2x10112x128xf32, #tpu.memory_space<hbm>> -> memref<1x632x128xf32, #tpu.memory_space<hbm>>
      %dma_wait3A_18 = tpu.memref_squeeze %dma_wait3A_17 : memref<1x632x128xf32, #tpu.memory_space<hbm>> -> memref<632x128xf32, #tpu.memory_space<hbm>>
      %dma_wait3A_19 = arith.constant 0 : i32
      %dma_wait3A_20 = tpu.memref_slice %arg8[%mul3A_10, %dma_wait3A_19] : memref<10112x128xf32, #tpu.memory_space<vmem_shared>> -> memref<632x128xf32, #tpu.memory_space<vmem_shared>>
      tpu.wait_dma2 semaphore(%run_scoped3A : memref<!tpu.dma_semaphore, #tpu.memory_space<semaphore_mem>>) src(%dma_wait3A_20 : memref<632x128xf32, #tpu.memory_space<vmem_shared>>) dst(%dma_wait3A_18 : memref<632x128xf32, #tpu.memory_space<hbm>>)
      tpu.yield
    }) : () -> ()
    return
  }
}

#map = affine_map<(d0, d1) -> (0, 0, 0, 0)>
#map1 = affine_map<(d0, d1) -> (0, 0)>
#map2 = affine_map<(d0, d1) -> (0, 0, 0)>
module attributes {stable_mosaic.version = 14 : i64} {
  func.func @body(%arg0: i32, %arg1: i32, %arg2: memref<2x16x79x128xi32, #tpu.memory_space<hbm>>, %arg3: memref<2x16x79x128xi32, #tpu.memory_space<hbm>>, %arg4: memref<10000x128xf32, #tpu.memory_space<hbm>>, %arg5: memref<10112x128xf32, #tpu.memory_space<hbm>>, %arg6: memref<2x10112x128xf32, #tpu.memory_space<hbm>>, %arg7: memref<79x128xi32, #tpu.memory_space<vmem>>, %arg8: memref<79x128xi32, #tpu.memory_space<vmem>>, %arg9: memref<128x128xf32, #tpu.memory_space<vmem>>, %arg10: memref<10112x128xf32, #tpu.memory_space<vmem_shared>>) attributes {dimension_semantics = [#tpu.dimension_semantics<core_parallel>, #tpu.dimension_semantics<subcore_parallel>], iteration_bounds = array<i64: 2, 16>, scalar_prefetch = 0 : i64, scratch_operands = 4 : i64, tpu.core_type = #tpu.core_type<sc_vector_subcore>, window_params = [{transform_indices = #map}, {transform_indices = #map}, {transform_indices = #map1}, {transform_indices = #map1}, {transform_indices = #map2}]} {
    "tpu.region"() ({
      %run_scoped3A = tpu.sem_alloc : memref<!tpu.dma_semaphore, #tpu.memory_space<semaphore_mem>>
      %dma_start3A = arith.constant 0 : i32
      %dma_start3A_13 = arith.constant 0 : i32
      %dma_start3A_14 = tpu.memref_slice %arg2[%arg0, %arg1, %dma_start3A, %dma_start3A_13] : memref<2x16x79x128xi32, #tpu.memory_space<hbm>> -> memref<1x1x79x128xi32, #tpu.memory_space<hbm>>
      %dma_start3A_15 = tpu.memref_squeeze %dma_start3A_14 : memref<1x1x79x128xi32, #tpu.memory_space<hbm>> -> memref<79x128xi32, #tpu.memory_space<hbm>>
      %dma_start3A_16 = arith.constant 0 : i32
      %dma_start3A_17 = arith.constant 0 : i32
      %dma_start3A_18 = tpu.memref_slice %arg2[%arg0, %arg1, %dma_start3A_16, %dma_start3A_17] : memref<2x16x79x128xi32, #tpu.memory_space<hbm>> -> memref<1x1x79x128xi32, #tpu.memory_space<hbm>>
      %dma_start3A_19 = tpu.memref_squeeze %dma_start3A_18 : memref<1x1x79x128xi32, #tpu.memory_space<hbm>> -> memref<79x128xi32, #tpu.memory_space<hbm>>
      tpu.enqueue_dma source(%dma_start3A_19 : memref<79x128xi32, #tpu.memory_space<hbm>>) target(%arg7 : memref<79x128xi32, #tpu.memory_space<vmem>>) target_semaphore(%run_scoped3A : memref<!tpu.dma_semaphore, #tpu.memory_space<semaphore_mem>>)
      %dma_wait3A = arith.constant 0 : i32
      %dma_wait3A_20 = arith.constant 0 : i32
      %dma_wait3A_21 = tpu.memref_slice %arg2[%arg0, %arg1, %dma_wait3A, %dma_wait3A_20] : memref<2x16x79x128xi32, #tpu.memory_space<hbm>> -> memref<1x1x79x128xi32, #tpu.memory_space<hbm>>
      %dma_wait3A_22 = tpu.memref_squeeze %dma_wait3A_21 : memref<1x1x79x128xi32, #tpu.memory_space<hbm>> -> memref<79x128xi32, #tpu.memory_space<hbm>>
      %dma_wait3A_23 = arith.constant 0 : i32
      %dma_wait3A_24 = arith.constant 0 : i32
      %dma_wait3A_25 = tpu.memref_slice %arg2[%arg0, %arg1, %dma_wait3A_23, %dma_wait3A_24] : memref<2x16x79x128xi32, #tpu.memory_space<hbm>> -> memref<1x1x79x128xi32, #tpu.memory_space<hbm>>
      %dma_wait3A_26 = tpu.memref_squeeze %dma_wait3A_25 : memref<1x1x79x128xi32, #tpu.memory_space<hbm>> -> memref<79x128xi32, #tpu.memory_space<hbm>>
      tpu.wait_dma2 semaphore(%run_scoped3A : memref<!tpu.dma_semaphore, #tpu.memory_space<semaphore_mem>>) src(%dma_wait3A_26 : memref<79x128xi32, #tpu.memory_space<hbm>>) dst(%arg7 : memref<79x128xi32, #tpu.memory_space<vmem>>)
      tpu.yield
    }) : () -> ()
    "tpu.region"() ({
      %run_scoped3A = tpu.sem_alloc : memref<!tpu.dma_semaphore, #tpu.memory_space<semaphore_mem>>
      %dma_start3A = arith.constant 0 : i32
      %dma_start3A_13 = arith.constant 0 : i32
      %dma_start3A_14 = tpu.memref_slice %arg3[%arg0, %arg1, %dma_start3A, %dma_start3A_13] : memref<2x16x79x128xi32, #tpu.memory_space<hbm>> -> memref<1x1x79x128xi32, #tpu.memory_space<hbm>>
      %dma_start3A_15 = tpu.memref_squeeze %dma_start3A_14 : memref<1x1x79x128xi32, #tpu.memory_space<hbm>> -> memref<79x128xi32, #tpu.memory_space<hbm>>
      %dma_start3A_16 = arith.constant 0 : i32
      %dma_start3A_17 = arith.constant 0 : i32
      %dma_start3A_18 = tpu.memref_slice %arg3[%arg0, %arg1, %dma_start3A_16, %dma_start3A_17] : memref<2x16x79x128xi32, #tpu.memory_space<hbm>> -> memref<1x1x79x128xi32, #tpu.memory_space<hbm>>
      %dma_start3A_19 = tpu.memref_squeeze %dma_start3A_18 : memref<1x1x79x128xi32, #tpu.memory_space<hbm>> -> memref<79x128xi32, #tpu.memory_space<hbm>>
      tpu.enqueue_dma source(%dma_start3A_19 : memref<79x128xi32, #tpu.memory_space<hbm>>) target(%arg8 : memref<79x128xi32, #tpu.memory_space<vmem>>) target_semaphore(%run_scoped3A : memref<!tpu.dma_semaphore, #tpu.memory_space<semaphore_mem>>)
      %dma_wait3A = arith.constant 0 : i32
      %dma_wait3A_20 = arith.constant 0 : i32
      %dma_wait3A_21 = tpu.memref_slice %arg3[%arg0, %arg1, %dma_wait3A, %dma_wait3A_20] : memref<2x16x79x128xi32, #tpu.memory_space<hbm>> -> memref<1x1x79x128xi32, #tpu.memory_space<hbm>>
      %dma_wait3A_22 = tpu.memref_squeeze %dma_wait3A_21 : memref<1x1x79x128xi32, #tpu.memory_space<hbm>> -> memref<79x128xi32, #tpu.memory_space<hbm>>
      %dma_wait3A_23 = arith.constant 0 : i32
      %dma_wait3A_24 = arith.constant 0 : i32
      %dma_wait3A_25 = tpu.memref_slice %arg3[%arg0, %arg1, %dma_wait3A_23, %dma_wait3A_24] : memref<2x16x79x128xi32, #tpu.memory_space<hbm>> -> memref<1x1x79x128xi32, #tpu.memory_space<hbm>>
      %dma_wait3A_26 = tpu.memref_squeeze %dma_wait3A_25 : memref<1x1x79x128xi32, #tpu.memory_space<hbm>> -> memref<79x128xi32, #tpu.memory_space<hbm>>
      tpu.wait_dma2 semaphore(%run_scoped3A : memref<!tpu.dma_semaphore, #tpu.memory_space<semaphore_mem>>) src(%dma_wait3A_26 : memref<79x128xi32, #tpu.memory_space<hbm>>) dst(%arg8 : memref<79x128xi32, #tpu.memory_space<vmem>>)
      tpu.yield
    }) : () -> ()
    %mul3A = arith.constant 632 : i32
    %mul3A_0 = arith.muli %arg1, %mul3A : i32
    %mul3A_1 = arith.constant 632 : i32
    %mul3A_2 = arith.muli %arg1, %mul3A_1 : i32
    "tpu.region"() ({
      %run_scoped3A = tpu.sem_alloc : memref<!tpu.dma_semaphore, #tpu.memory_space<semaphore_mem>>
      %dma_start3A = arith.constant 0 : i32
      %dma_start3A_13 = tpu.memref_slice %arg10[%mul3A_2, %dma_start3A] : memref<10112x128xf32, #tpu.memory_space<vmem_shared>> -> memref<632x128xf32, #tpu.memory_space<vmem_shared>>
      %dma_start3A_14 = arith.constant 0 : i32
      %dma_start3A_15 = tpu.memref_slice %arg5[%mul3A_0, %dma_start3A_14] : memref<10112x128xf32, #tpu.memory_space<hbm>> -> memref<632x128xf32, #tpu.memory_space<hbm>>
      tpu.enqueue_dma source(%dma_start3A_15 : memref<632x128xf32, #tpu.memory_space<hbm>>) target(%dma_start3A_13 : memref<632x128xf32, #tpu.memory_space<vmem_shared>>) target_semaphore(%run_scoped3A : memref<!tpu.dma_semaphore, #tpu.memory_space<semaphore_mem>>)
      %dma_wait3A = arith.constant 0 : i32
      %dma_wait3A_16 = tpu.memref_slice %arg10[%mul3A_2, %dma_wait3A] : memref<10112x128xf32, #tpu.memory_space<vmem_shared>> -> memref<632x128xf32, #tpu.memory_space<vmem_shared>>
      %dma_wait3A_17 = arith.constant 0 : i32
      %dma_wait3A_18 = tpu.memref_slice %arg5[%mul3A_0, %dma_wait3A_17] : memref<10112x128xf32, #tpu.memory_space<hbm>> -> memref<632x128xf32, #tpu.memory_space<hbm>>
      tpu.wait_dma2 semaphore(%run_scoped3A : memref<!tpu.dma_semaphore, #tpu.memory_space<semaphore_mem>>) src(%dma_wait3A_18 : memref<632x128xf32, #tpu.memory_space<hbm>>) dst(%dma_wait3A_16 : memref<632x128xf32, #tpu.memory_space<vmem_shared>>)
      tpu.yield
    }) : () -> ()
    %barrier3A = arith.constant 0 : index
    tpu.barrier barrier_id(%barrier3A)
    %scan3A = arith.constant 0 : i32
    %scan3A_3 = arith.constant 0 : i32
    %scan3A_4 = arith.constant 79 : i32
    %scan3A_5 = arith.addi %scan3A_3, %scan3A_4 : i32
    %scan3A_6 = arith.constant 1 : i32
    scf.for %scan3A_13 = %scan3A_3 to %scan3A_5 step %scan3A_6  : i32 {
      "tpu.region"() ({
        %run_scoped3A = tpu.sem_alloc : memref<!tpu.dma_semaphore, #tpu.memory_space<semaphore_mem>>
        %dma_start3A = arith.constant 0 : i32
        %dma_start3A_14 = tpu.memref_slice %arg7[%scan3A_13, %dma_start3A] : memref<79x128xi32, #tpu.memory_space<vmem>> -> memref<1x128xi32, #tpu.memory_space<vmem>>
        %dma_start3A_15 = tpu.memref_squeeze %dma_start3A_14 : memref<1x128xi32, #tpu.memory_space<vmem>> -> memref<128xi32, #tpu.memory_space<vmem>>
        %dma_start3A_16 = arith.constant 0 : i32
        %dma_start3A_17 = arith.constant 0 : i32
        %dma_start3A_18 = tpu.memref_slice %arg4[%dma_start3A_16, %dma_start3A_17] : memref<10000x128xf32, #tpu.memory_space<hbm>> -> memref<10000x128xf32, #tpu.memory_space<hbm>>
        tpu.enqueue_indirect_dma source(%dma_start3A_18 : memref<10000x128xf32, #tpu.memory_space<hbm>>) target(%arg9 : memref<128x128xf32, #tpu.memory_space<vmem>>) offsets(%dma_start3A_15 : memref<128xi32, #tpu.memory_space<vmem>>) semaphore(%run_scoped3A : memref<!tpu.dma_semaphore, #tpu.memory_space<semaphore_mem>>)
        %dma_wait3A = arith.constant 0 : i32
        %dma_wait3A_19 = tpu.memref_slice %arg7[%scan3A_13, %dma_wait3A] : memref<79x128xi32, #tpu.memory_space<vmem>> -> memref<1x128xi32, #tpu.memory_space<vmem>>
        %dma_wait3A_20 = tpu.memref_squeeze %dma_wait3A_19 : memref<1x128xi32, #tpu.memory_space<vmem>> -> memref<128xi32, #tpu.memory_space<vmem>>
        %dma_wait3A_21 = arith.constant 0 : i32
        %dma_wait3A_22 = arith.constant 0 : i32
        %dma_wait3A_23 = tpu.memref_slice %arg4[%dma_wait3A_21, %dma_wait3A_22] : memref<10000x128xf32, #tpu.memory_space<hbm>> -> memref<10000x128xf32, #tpu.memory_space<hbm>>
        tpu.wait_indirect_dma semaphore(%run_scoped3A : memref<!tpu.dma_semaphore, #tpu.memory_space<semaphore_mem>>) src(%dma_wait3A_23 : memref<10000x128xf32, #tpu.memory_space<hbm>>) dst(%arg9 : memref<128x128xf32, #tpu.memory_space<vmem>>)
        tpu.yield
      }) : () -> ()
      "tpu.region"() ({
        %run_scoped3A = tpu.sem_alloc : memref<!tpu.dma_semaphore, #tpu.memory_space<semaphore_mem>>
        %dma_start3A = arith.constant 0 : i32
        %dma_start3A_14 = tpu.memref_slice %arg8[%scan3A_13, %dma_start3A] : memref<79x128xi32, #tpu.memory_space<vmem>> -> memref<1x128xi32, #tpu.memory_space<vmem>>
        %dma_start3A_15 = tpu.memref_squeeze %dma_start3A_14 : memref<1x128xi32, #tpu.memory_space<vmem>> -> memref<128xi32, #tpu.memory_space<vmem>>
        %dma_start3A_16 = arith.constant 0 : i32
        %dma_start3A_17 = arith.constant 0 : i32
        %dma_start3A_18 = tpu.memref_slice %arg10[%dma_start3A_16, %dma_start3A_17] : memref<10112x128xf32, #tpu.memory_space<vmem_shared>> -> memref<10112x128xf32, #tpu.memory_space<vmem_shared>>
        tpu.enqueue_indirect_dma source(%arg9 : memref<128x128xf32, #tpu.memory_space<vmem>>) target(%dma_start3A_18 : memref<10112x128xf32, #tpu.memory_space<vmem_shared>>) offsets(%dma_start3A_15 : memref<128xi32, #tpu.memory_space<vmem>>) semaphore(%run_scoped3A : memref<!tpu.dma_semaphore, #tpu.memory_space<semaphore_mem>>) {add = true}
        %dma_wait3A = arith.constant 0 : i32
        %dma_wait3A_19 = tpu.memref_slice %arg8[%scan3A_13, %dma_wait3A] : memref<79x128xi32, #tpu.memory_space<vmem>> -> memref<1x128xi32, #tpu.memory_space<vmem>>
        %dma_wait3A_20 = tpu.memref_squeeze %dma_wait3A_19 : memref<1x128xi32, #tpu.memory_space<vmem>> -> memref<128xi32, #tpu.memory_space<vmem>>
        %dma_wait3A_21 = arith.constant 0 : i32
        %dma_wait3A_22 = arith.constant 0 : i32
        %dma_wait3A_23 = tpu.memref_slice %arg10[%dma_wait3A_21, %dma_wait3A_22] : memref<10112x128xf32, #tpu.memory_space<vmem_shared>> -> memref<10112x128xf32, #tpu.memory_space<vmem_shared>>
        tpu.wait_indirect_dma semaphore(%run_scoped3A : memref<!tpu.dma_semaphore, #tpu.memory_space<semaphore_mem>>) src(%arg9 : memref<128x128xf32, #tpu.memory_space<vmem>>) dst(%dma_wait3A_23 : memref<10112x128xf32, #tpu.memory_space<vmem_shared>>)
        tpu.yield
      }) : () -> ()
    }
    %scan3A_7 = arith.constant 79 : i32
    %barrier3A_8 = arith.constant 0 : index
    tpu.barrier barrier_id(%barrier3A_8)
    %mul3A_9 = arith.constant 632 : i32
    %mul3A_10 = arith.muli %arg1, %mul3A_9 : i32
    %mul3A_11 = arith.constant 632 : i32
    %mul3A_12 = arith.muli %arg1, %mul3A_11 : i32
    "tpu.region"() ({
      %run_scoped3A = tpu.sem_alloc : memref<!tpu.dma_semaphore, #tpu.memory_space<semaphore_mem>>
      %dma_start3A = arith.constant 0 : i32
      %dma_start3A_13 = tpu.memref_slice %arg6[%arg0, %mul3A_12, %dma_start3A] : memref<2x10112x128xf32, #tpu.memory_space<hbm>> -> memref<1x632x128xf32, #tpu.memory_space<hbm>>
      %dma_start3A_14 = tpu.memref_squeeze %dma_start3A_13 : memref<1x632x128xf32, #tpu.memory_space<hbm>> -> memref<632x128xf32, #tpu.memory_space<hbm>>
      %dma_start3A_15 = arith.constant 0 : i32
      %dma_start3A_16 = tpu.memref_slice %arg10[%mul3A_10, %dma_start3A_15] : memref<10112x128xf32, #tpu.memory_space<vmem_shared>> -> memref<632x128xf32, #tpu.memory_space<vmem_shared>>
      tpu.enqueue_dma source(%dma_start3A_16 : memref<632x128xf32, #tpu.memory_space<vmem_shared>>) target(%dma_start3A_14 : memref<632x128xf32, #tpu.memory_space<hbm>>) target_semaphore(%run_scoped3A : memref<!tpu.dma_semaphore, #tpu.memory_space<semaphore_mem>>)
      %dma_wait3A = arith.constant 0 : i32
      %dma_wait3A_17 = tpu.memref_slice %arg6[%arg0, %mul3A_12, %dma_wait3A] : memref<2x10112x128xf32, #tpu.memory_space<hbm>> -> memref<1x632x128xf32, #tpu.memory_space<hbm>>
      %dma_wait3A_18 = tpu.memref_squeeze %dma_wait3A_17 : memref<1x632x128xf32, #tpu.memory_space<hbm>> -> memref<632x128xf32, #tpu.memory_space<hbm>>
      %dma_wait3A_19 = arith.constant 0 : i32
      %dma_wait3A_20 = tpu.memref_slice %arg10[%mul3A_10, %dma_wait3A_19] : memref<10112x128xf32, #tpu.memory_space<vmem_shared>> -> memref<632x128xf32, #tpu.memory_space<vmem_shared>>
      tpu.wait_dma2 semaphore(%run_scoped3A : memref<!tpu.dma_semaphore, #tpu.memory_space<semaphore_mem>>) src(%dma_wait3A_20 : memref<632x128xf32, #tpu.memory_space<vmem_shared>>) dst(%dma_wait3A_18 : memref<632x128xf32, #tpu.memory_space<hbm>>)
      tpu.yield
    }) : () -> ()
    return
  }
}

#map = affine_map<(d0, d1) -> (0, 0, 0, 0)>
#map1 = affine_map<(d0, d1) -> (0, 0)>
#map2 = affine_map<(d0, d1) -> (0, 0, 0)>
module attributes {stable_mosaic.version = 14 : i64} {
  func.func @body(%arg0: i32, %arg1: i32, %arg2: memref<2x16x79x128xi32, #tpu.memory_space<hbm>>, %arg3: memref<2x16x79x128xi32, #tpu.memory_space<hbm>>, %arg4: memref<10000x128xf32, #tpu.memory_space<hbm>>, %arg5: memref<10112x128xf32, #tpu.memory_space<hbm>>, %arg6: memref<2x10112x128xf32, #tpu.memory_space<hbm>>, %arg7: memref<79x128xi32, #tpu.memory_space<vmem>>, %arg8: memref<79x128xi32, #tpu.memory_space<vmem>>, %arg9: memref<128x128xf32, #tpu.memory_space<vmem>>, %arg10: memref<10112x128xf32, #tpu.memory_space<vmem_shared>>) attributes {dimension_semantics = [#tpu.dimension_semantics<core_parallel>, #tpu.dimension_semantics<subcore_parallel>], iteration_bounds = array<i64: 2, 16>, scalar_prefetch = 0 : i64, scratch_operands = 4 : i64, tpu.core_type = #tpu.core_type<sc_vector_subcore>, window_params = [{transform_indices = #map}, {transform_indices = #map}, {transform_indices = #map1}, {transform_indices = #map1}, {transform_indices = #map2}]} {
    "tpu.region"() ({
      %run_scoped3A = tpu.sem_alloc : memref<!tpu.dma_semaphore, #tpu.memory_space<semaphore_mem>>
      %dma_start3A = arith.constant 0 : i32
      %dma_start3A_13 = arith.constant 0 : i32
      %dma_start3A_14 = tpu.memref_slice %arg2[%arg0, %arg1, %dma_start3A, %dma_start3A_13] : memref<2x16x79x128xi32, #tpu.memory_space<hbm>> -> memref<1x1x79x128xi32, #tpu.memory_space<hbm>>
      %dma_start3A_15 = tpu.memref_squeeze %dma_start3A_14 : memref<1x1x79x128xi32, #tpu.memory_space<hbm>> -> memref<79x128xi32, #tpu.memory_space<hbm>>
      %dma_start3A_16 = arith.constant 0 : i32
      %dma_start3A_17 = arith.constant 0 : i32
      %dma_start3A_18 = tpu.memref_slice %arg2[%arg0, %arg1, %dma_start3A_16, %dma_start3A_17] : memref<2x16x79x128xi32, #tpu.memory_space<hbm>> -> memref<1x1x79x128xi32, #tpu.memory_space<hbm>>
      %dma_start3A_19 = tpu.memref_squeeze %dma_start3A_18 : memref<1x1x79x128xi32, #tpu.memory_space<hbm>> -> memref<79x128xi32, #tpu.memory_space<hbm>>
      tpu.enqueue_dma source(%dma_start3A_19 : memref<79x128xi32, #tpu.memory_space<hbm>>) target(%arg7 : memref<79x128xi32, #tpu.memory_space<vmem>>) target_semaphore(%run_scoped3A : memref<!tpu.dma_semaphore, #tpu.memory_space<semaphore_mem>>)
      %dma_wait3A = arith.constant 0 : i32
      %dma_wait3A_20 = arith.constant 0 : i32
      %dma_wait3A_21 = tpu.memref_slice %arg2[%arg0, %arg1, %dma_wait3A, %dma_wait3A_20] : memref<2x16x79x128xi32, #tpu.memory_space<hbm>> -> memref<1x1x79x128xi32, #tpu.memory_space<hbm>>
      %dma_wait3A_22 = tpu.memref_squeeze %dma_wait3A_21 : memref<1x1x79x128xi32, #tpu.memory_space<hbm>> -> memref<79x128xi32, #tpu.memory_space<hbm>>
      %dma_wait3A_23 = arith.constant 0 : i32
      %dma_wait3A_24 = arith.constant 0 : i32
      %dma_wait3A_25 = tpu.memref_slice %arg2[%arg0, %arg1, %dma_wait3A_23, %dma_wait3A_24] : memref<2x16x79x128xi32, #tpu.memory_space<hbm>> -> memref<1x1x79x128xi32, #tpu.memory_space<hbm>>
      %dma_wait3A_26 = tpu.memref_squeeze %dma_wait3A_25 : memref<1x1x79x128xi32, #tpu.memory_space<hbm>> -> memref<79x128xi32, #tpu.memory_space<hbm>>
      tpu.wait_dma2 semaphore(%run_scoped3A : memref<!tpu.dma_semaphore, #tpu.memory_space<semaphore_mem>>) src(%dma_wait3A_26 : memref<79x128xi32, #tpu.memory_space<hbm>>) dst(%arg7 : memref<79x128xi32, #tpu.memory_space<vmem>>)
      tpu.yield
    }) : () -> ()
    "tpu.region"() ({
      %run_scoped3A = tpu.sem_alloc : memref<!tpu.dma_semaphore, #tpu.memory_space<semaphore_mem>>
      %dma_start3A = arith.constant 0 : i32
      %dma_start3A_13 = arith.constant 0 : i32
      %dma_start3A_14 = tpu.memref_slice %arg3[%arg0, %arg1, %dma_start3A, %dma_start3A_13] : memref<2x16x79x128xi32, #tpu.memory_space<hbm>> -> memref<1x1x79x128xi32, #tpu.memory_space<hbm>>
      %dma_start3A_15 = tpu.memref_squeeze %dma_start3A_14 : memref<1x1x79x128xi32, #tpu.memory_space<hbm>> -> memref<79x128xi32, #tpu.memory_space<hbm>>
      %dma_start3A_16 = arith.constant 0 : i32
      %dma_start3A_17 = arith.constant 0 : i32
      %dma_start3A_18 = tpu.memref_slice %arg3[%arg0, %arg1, %dma_start3A_16, %dma_start3A_17] : memref<2x16x79x128xi32, #tpu.memory_space<hbm>> -> memref<1x1x79x128xi32, #tpu.memory_space<hbm>>
      %dma_start3A_19 = tpu.memref_squeeze %dma_start3A_18 : memref<1x1x79x128xi32, #tpu.memory_space<hbm>> -> memref<79x128xi32, #tpu.memory_space<hbm>>
      tpu.enqueue_dma source(%dma_start3A_19 : memref<79x128xi32, #tpu.memory_space<hbm>>) target(%arg8 : memref<79x128xi32, #tpu.memory_space<vmem>>) target_semaphore(%run_scoped3A : memref<!tpu.dma_semaphore, #tpu.memory_space<semaphore_mem>>)
      %dma_wait3A = arith.constant 0 : i32
      %dma_wait3A_20 = arith.constant 0 : i32
      %dma_wait3A_21 = tpu.memref_slice %arg3[%arg0, %arg1, %dma_wait3A, %dma_wait3A_20] : memref<2x16x79x128xi32, #tpu.memory_space<hbm>> -> memref<1x1x79x128xi32, #tpu.memory_space<hbm>>
      %dma_wait3A_22 = tpu.memref_squeeze %dma_wait3A_21 : memref<1x1x79x128xi32, #tpu.memory_space<hbm>> -> memref<79x128xi32, #tpu.memory_space<hbm>>
      %dma_wait3A_23 = arith.constant 0 : i32
      %dma_wait3A_24 = arith.constant 0 : i32
      %dma_wait3A_25 = tpu.memref_slice %arg3[%arg0, %arg1, %dma_wait3A_23, %dma_wait3A_24] : memref<2x16x79x128xi32, #tpu.memory_space<hbm>> -> memref<1x1x79x128xi32, #tpu.memory_space<hbm>>
      %dma_wait3A_26 = tpu.memref_squeeze %dma_wait3A_25 : memref<1x1x79x128xi32, #tpu.memory_space<hbm>> -> memref<79x128xi32, #tpu.memory_space<hbm>>
      tpu.wait_dma2 semaphore(%run_scoped3A : memref<!tpu.dma_semaphore, #tpu.memory_space<semaphore_mem>>) src(%dma_wait3A_26 : memref<79x128xi32, #tpu.memory_space<hbm>>) dst(%arg8 : memref<79x128xi32, #tpu.memory_space<vmem>>)
      tpu.yield
    }) : () -> ()
    %mul3A = arith.constant 632 : i32
    %mul3A_0 = arith.muli %arg1, %mul3A : i32
    %mul3A_1 = arith.constant 632 : i32
    %mul3A_2 = arith.muli %arg1, %mul3A_1 : i32
    "tpu.region"() ({
      %run_scoped3A = tpu.sem_alloc : memref<!tpu.dma_semaphore, #tpu.memory_space<semaphore_mem>>
      %dma_start3A = arith.constant 0 : i32
      %dma_start3A_13 = tpu.memref_slice %arg10[%mul3A_2, %dma_start3A] : memref<10112x128xf32, #tpu.memory_space<vmem_shared>> -> memref<632x128xf32, #tpu.memory_space<vmem_shared>>
      %dma_start3A_14 = arith.constant 0 : i32
      %dma_start3A_15 = tpu.memref_slice %arg5[%mul3A_0, %dma_start3A_14] : memref<10112x128xf32, #tpu.memory_space<hbm>> -> memref<632x128xf32, #tpu.memory_space<hbm>>
      tpu.enqueue_dma source(%dma_start3A_15 : memref<632x128xf32, #tpu.memory_space<hbm>>) target(%dma_start3A_13 : memref<632x128xf32, #tpu.memory_space<vmem_shared>>) target_semaphore(%run_scoped3A : memref<!tpu.dma_semaphore, #tpu.memory_space<semaphore_mem>>)
      %dma_wait3A = arith.constant 0 : i32
      %dma_wait3A_16 = tpu.memref_slice %arg10[%mul3A_2, %dma_wait3A] : memref<10112x128xf32, #tpu.memory_space<vmem_shared>> -> memref<632x128xf32, #tpu.memory_space<vmem_shared>>
      %dma_wait3A_17 = arith.constant 0 : i32
      %dma_wait3A_18 = tpu.memref_slice %arg5[%mul3A_0, %dma_wait3A_17] : memref<10112x128xf32, #tpu.memory_space<hbm>> -> memref<632x128xf32, #tpu.memory_space<hbm>>
      tpu.wait_dma2 semaphore(%run_scoped3A : memref<!tpu.dma_semaphore, #tpu.memory_space<semaphore_mem>>) src(%dma_wait3A_18 : memref<632x128xf32, #tpu.memory_space<hbm>>) dst(%dma_wait3A_16 : memref<632x128xf32, #tpu.memory_space<vmem_shared>>)
      tpu.yield
    }) : () -> ()
    %barrier3A = arith.constant 0 : index
    tpu.barrier barrier_id(%barrier3A)
    %scan3A = arith.constant 0 : i32
    %scan3A_3 = arith.constant 0 : i32
    %scan3A_4 = arith.constant 79 : i32
    %scan3A_5 = arith.addi %scan3A_3, %scan3A_4 : i32
    %scan3A_6 = arith.constant 1 : i32
    scf.for %scan3A_13 = %scan3A_3 to %scan3A_5 step %scan3A_6  : i32 {
      "tpu.region"() ({
        %run_scoped3A = tpu.sem_alloc : memref<!tpu.dma_semaphore, #tpu.memory_space<semaphore_mem>>
        %dma_start3A = arith.constant 0 : i32
        %dma_start3A_14 = tpu.memref_slice %arg7[%scan3A_13, %dma_start3A] : memref<79x128xi32, #tpu.memory_space<vmem>> -> memref<1x128xi32, #tpu.memory_space<vmem>>
        %dma_start3A_15 = tpu.memref_squeeze %dma_start3A_14 : memref<1x128xi32, #tpu.memory_space<vmem>> -> memref<128xi32, #tpu.memory_space<vmem>>
        %dma_start3A_16 = arith.constant 0 : i32
        %dma_start3A_17 = arith.constant 0 : i32
        %dma_start3A_18 = tpu.memref_slice %arg4[%dma_start3A_16, %dma_start3A_17] : memref<10000x128xf32, #tpu.memory_space<hbm>> -> memref<10000x128xf32, #tpu.memory_space<hbm>>
        tpu.enqueue_indirect_dma source(%dma_start3A_18 : memref<10000x128xf32, #tpu.memory_space<hbm>>) target(%arg9 : memref<128x128xf32, #tpu.memory_space<vmem>>) offsets(%dma_start3A_15 : memref<128xi32, #tpu.memory_space<vmem>>) semaphore(%run_scoped3A : memref<!tpu.dma_semaphore, #tpu.memory_space<semaphore_mem>>)
        %dma_wait3A = arith.constant 0 : i32
        %dma_wait3A_19 = tpu.memref_slice %arg7[%scan3A_13, %dma_wait3A] : memref<79x128xi32, #tpu.memory_space<vmem>> -> memref<1x128xi32, #tpu.memory_space<vmem>>
        %dma_wait3A_20 = tpu.memref_squeeze %dma_wait3A_19 : memref<1x128xi32, #tpu.memory_space<vmem>> -> memref<128xi32, #tpu.memory_space<vmem>>
        %dma_wait3A_21 = arith.constant 0 : i32
        %dma_wait3A_22 = arith.constant 0 : i32
        %dma_wait3A_23 = tpu.memref_slice %arg4[%dma_wait3A_21, %dma_wait3A_22] : memref<10000x128xf32, #tpu.memory_space<hbm>> -> memref<10000x128xf32, #tpu.memory_space<hbm>>
        tpu.wait_indirect_dma semaphore(%run_scoped3A : memref<!tpu.dma_semaphore, #tpu.memory_space<semaphore_mem>>) src(%dma_wait3A_23 : memref<10000x128xf32, #tpu.memory_space<hbm>>) dst(%arg9 : memref<128x128xf32, #tpu.memory_space<vmem>>)
        tpu.yield
      }) : () -> ()
      "tpu.region"() ({
        %run_scoped3A = tpu.sem_alloc : memref<!tpu.dma_semaphore, #tpu.memory_space<semaphore_mem>>
        %dma_start3A = arith.constant 0 : i32
        %dma_start3A_14 = tpu.memref_slice %arg8[%scan3A_13, %dma_start3A] : memref<79x128xi32, #tpu.memory_space<vmem>> -> memref<1x128xi32, #tpu.memory_space<vmem>>
        %dma_start3A_15 = tpu.memref_squeeze %dma_start3A_14 : memref<1x128xi32, #tpu.memory_space<vmem>> -> memref<128xi32, #tpu.memory_space<vmem>>
        %dma_start3A_16 = arith.constant 0 : i32
        %dma_start3A_17 = arith.constant 0 : i32
        %dma_start3A_18 = tpu.memref_slice %arg10[%dma_start3A_16, %dma_start3A_17] : memref<10112x128xf32, #tpu.memory_space<vmem_shared>> -> memref<10112x128xf32, #tpu.memory_space<vmem_shared>>
        tpu.enqueue_indirect_dma source(%arg9 : memref<128x128xf32, #tpu.memory_space<vmem>>) target(%dma_start3A_18 : memref<10112x128xf32, #tpu.memory_space<vmem_shared>>) offsets(%dma_start3A_15 : memref<128xi32, #tpu.memory_space<vmem>>) semaphore(%run_scoped3A : memref<!tpu.dma_semaphore, #tpu.memory_space<semaphore_mem>>) {add = true}
        %dma_wait3A = arith.constant 0 : i32
        %dma_wait3A_19 = tpu.memref_slice %arg8[%scan3A_13, %dma_wait3A] : memref<79x128xi32, #tpu.memory_space<vmem>> -> memref<1x128xi32, #tpu.memory_space<vmem>>
        %dma_wait3A_20 = tpu.memref_squeeze %dma_wait3A_19 : memref<1x128xi32, #tpu.memory_space<vmem>> -> memref<128xi32, #tpu.memory_space<vmem>>
        %dma_wait3A_21 = arith.constant 0 : i32
        %dma_wait3A_22 = arith.constant 0 : i32
        %dma_wait3A_23 = tpu.memref_slice %arg10[%dma_wait3A_21, %dma_wait3A_22] : memref<10112x128xf32, #tpu.memory_space<vmem_shared>> -> memref<10112x128xf32, #tpu.memory_space<vmem_shared>>
        tpu.wait_indirect_dma semaphore(%run_scoped3A : memref<!tpu.dma_semaphore, #tpu.memory_space<semaphore_mem>>) src(%arg9 : memref<128x128xf32, #tpu.memory_space<vmem>>) dst(%dma_wait3A_23 : memref<10112x128xf32, #tpu.memory_space<vmem_shared>>)
        tpu.yield
      }) : () -> ()
    }
    %scan3A_7 = arith.constant 79 : i32
    %barrier3A_8 = arith.constant 0 : index
    tpu.barrier barrier_id(%barrier3A_8)
    %mul3A_9 = arith.constant 632 : i32
    %mul3A_10 = arith.muli %arg1, %mul3A_9 : i32
    %mul3A_11 = arith.constant 632 : i32
    %mul3A_12 = arith.muli %arg1, %mul3A_11 : i32
    "tpu.region"() ({
      %run_scoped3A = tpu.sem_alloc : memref<!tpu.dma_semaphore, #tpu.memory_space<semaphore_mem>>
      %dma_start3A = arith.constant 0 : i32
      %dma_start3A_13 = tpu.memref_slice %arg6[%arg0, %mul3A_12, %dma_start3A] : memref<2x10112x128xf32, #tpu.memory_space<hbm>> -> memref<1x632x128xf32, #tpu.memory_space<hbm>>
      %dma_start3A_14 = tpu.memref_squeeze %dma_start3A_13 : memref<1x632x128xf32, #tpu.memory_space<hbm>> -> memref<632x128xf32, #tpu.memory_space<hbm>>
      %dma_start3A_15 = arith.constant 0 : i32
      %dma_start3A_16 = tpu.memref_slice %arg10[%mul3A_10, %dma_start3A_15] : memref<10112x128xf32, #tpu.memory_space<vmem_shared>> -> memref<632x128xf32, #tpu.memory_space<vmem_shared>>
      tpu.enqueue_dma source(%dma_start3A_16 : memref<632x128xf32, #tpu.memory_space<vmem_shared>>) target(%dma_start3A_14 : memref<632x128xf32, #tpu.memory_space<hbm>>) target_semaphore(%run_scoped3A : memref<!tpu.dma_semaphore, #tpu.memory_space<semaphore_mem>>)
      %dma_wait3A = arith.constant 0 : i32
      %dma_wait3A_17 = tpu.memref_slice %arg6[%arg0, %mul3A_12, %dma_wait3A] : memref<2x10112x128xf32, #tpu.memory_space<hbm>> -> memref<1x632x128xf32, #tpu.memory_space<hbm>>
      %dma_wait3A_18 = tpu.memref_squeeze %dma_wait3A_17 : memref<1x632x128xf32, #tpu.memory_space<hbm>> -> memref<632x128xf32, #tpu.memory_space<hbm>>
      %dma_wait3A_19 = arith.constant 0 : i32
      %dma_wait3A_20 = tpu.memref_slice %arg10[%mul3A_10, %dma_wait3A_19] : memref<10112x128xf32, #tpu.memory_space<vmem_shared>> -> memref<632x128xf32, #tpu.memory_space<vmem_shared>>
      tpu.wait_dma2 semaphore(%run_scoped3A : memref<!tpu.dma_semaphore, #tpu.memory_space<semaphore_mem>>) src(%dma_wait3A_20 : memref<632x128xf32, #tpu.memory_space<vmem_shared>>) dst(%dma_wait3A_18 : memref<632x128xf32, #tpu.memory_space<hbm>>)
      tpu.yield
    }) : () -> ()
    return
  }
}

#map = affine_map<(d0, d1) -> (0, 0, 0, 0)>
#map1 = affine_map<(d0, d1) -> (0, 0)>
#map2 = affine_map<(d0, d1) -> (0, 0, 0)>
module attributes {stable_mosaic.version = 14 : i64} {
  func.func @body(%arg0: i32, %arg1: i32, %arg2: memref<2x16x79x128xi32, #tpu.memory_space<hbm>>, %arg3: memref<2x16x79x128xi32, #tpu.memory_space<hbm>>, %arg4: memref<10000x128xf32, #tpu.memory_space<hbm>>, %arg5: memref<10112x128xf32, #tpu.memory_space<hbm>>, %arg6: memref<2x10112x128xf32, #tpu.memory_space<hbm>>, %arg7: memref<79x128xi32, #tpu.memory_space<vmem>>, %arg8: memref<79x128xi32, #tpu.memory_space<vmem>>, %arg9: memref<128x128xf32, #tpu.memory_space<vmem>>, %arg10: memref<10112x128xf32, #tpu.memory_space<vmem_shared>>) attributes {dimension_semantics = [#tpu.dimension_semantics<core_parallel>, #tpu.dimension_semantics<subcore_parallel>], iteration_bounds = array<i64: 2, 16>, scalar_prefetch = 0 : i64, scratch_operands = 4 : i64, tpu.core_type = #tpu.core_type<sc_vector_subcore>, window_params = [{transform_indices = #map}, {transform_indices = #map}, {transform_indices = #map1}, {transform_indices = #map1}, {transform_indices = #map2}]} {
    "tpu.region"() ({
      %run_scoped3A = tpu.sem_alloc : memref<!tpu.dma_semaphore, #tpu.memory_space<semaphore_mem>>
      %dma_start3A = arith.constant 0 : i32
      %dma_start3A_13 = arith.constant 0 : i32
      %dma_start3A_14 = tpu.memref_slice %arg2[%arg0, %arg1, %dma_start3A, %dma_start3A_13] : memref<2x16x79x128xi32, #tpu.memory_space<hbm>> -> memref<1x1x79x128xi32, #tpu.memory_space<hbm>>
      %dma_start3A_15 = tpu.memref_squeeze %dma_start3A_14 : memref<1x1x79x128xi32, #tpu.memory_space<hbm>> -> memref<79x128xi32, #tpu.memory_space<hbm>>
      %dma_start3A_16 = arith.constant 0 : i32
      %dma_start3A_17 = arith.constant 0 : i32
      %dma_start3A_18 = tpu.memref_slice %arg2[%arg0, %arg1, %dma_start3A_16, %dma_start3A_17] : memref<2x16x79x128xi32, #tpu.memory_space<hbm>> -> memref<1x1x79x128xi32, #tpu.memory_space<hbm>>
      %dma_start3A_19 = tpu.memref_squeeze %dma_start3A_18 : memref<1x1x79x128xi32, #tpu.memory_space<hbm>> -> memref<79x128xi32, #tpu.memory_space<hbm>>
      tpu.enqueue_dma source(%dma_start3A_19 : memref<79x128xi32, #tpu.memory_space<hbm>>) target(%arg7 : memref<79x128xi32, #tpu.memory_space<vmem>>) target_semaphore(%run_scoped3A : memref<!tpu.dma_semaphore, #tpu.memory_space<semaphore_mem>>)
      %dma_wait3A = arith.constant 0 : i32
      %dma_wait3A_20 = arith.constant 0 : i32
      %dma_wait3A_21 = tpu.memref_slice %arg2[%arg0, %arg1, %dma_wait3A, %dma_wait3A_20] : memref<2x16x79x128xi32, #tpu.memory_space<hbm>> -> memref<1x1x79x128xi32, #tpu.memory_space<hbm>>
      %dma_wait3A_22 = tpu.memref_squeeze %dma_wait3A_21 : memref<1x1x79x128xi32, #tpu.memory_space<hbm>> -> memref<79x128xi32, #tpu.memory_space<hbm>>
      %dma_wait3A_23 = arith.constant 0 : i32
      %dma_wait3A_24 = arith.constant 0 : i32
      %dma_wait3A_25 = tpu.memref_slice %arg2[%arg0, %arg1, %dma_wait3A_23, %dma_wait3A_24] : memref<2x16x79x128xi32, #tpu.memory_space<hbm>> -> memref<1x1x79x128xi32, #tpu.memory_space<hbm>>
      %dma_wait3A_26 = tpu.memref_squeeze %dma_wait3A_25 : memref<1x1x79x128xi32, #tpu.memory_space<hbm>> -> memref<79x128xi32, #tpu.memory_space<hbm>>
      tpu.wait_dma2 semaphore(%run_scoped3A : memref<!tpu.dma_semaphore, #tpu.memory_space<semaphore_mem>>) src(%dma_wait3A_26 : memref<79x128xi32, #tpu.memory_space<hbm>>) dst(%arg7 : memref<79x128xi32, #tpu.memory_space<vmem>>)
      tpu.yield
    }) : () -> ()
    "tpu.region"() ({
      %run_scoped3A = tpu.sem_alloc : memref<!tpu.dma_semaphore, #tpu.memory_space<semaphore_mem>>
      %dma_start3A = arith.constant 0 : i32
      %dma_start3A_13 = arith.constant 0 : i32
      %dma_start3A_14 = tpu.memref_slice %arg3[%arg0, %arg1, %dma_start3A, %dma_start3A_13] : memref<2x16x79x128xi32, #tpu.memory_space<hbm>> -> memref<1x1x79x128xi32, #tpu.memory_space<hbm>>
      %dma_start3A_15 = tpu.memref_squeeze %dma_start3A_14 : memref<1x1x79x128xi32, #tpu.memory_space<hbm>> -> memref<79x128xi32, #tpu.memory_space<hbm>>
      %dma_start3A_16 = arith.constant 0 : i32
      %dma_start3A_17 = arith.constant 0 : i32
      %dma_start3A_18 = tpu.memref_slice %arg3[%arg0, %arg1, %dma_start3A_16, %dma_start3A_17] : memref<2x16x79x128xi32, #tpu.memory_space<hbm>> -> memref<1x1x79x128xi32, #tpu.memory_space<hbm>>
      %dma_start3A_19 = tpu.memref_squeeze %dma_start3A_18 : memref<1x1x79x128xi32, #tpu.memory_space<hbm>> -> memref<79x128xi32, #tpu.memory_space<hbm>>
      tpu.enqueue_dma source(%dma_start3A_19 : memref<79x128xi32, #tpu.memory_space<hbm>>) target(%arg8 : memref<79x128xi32, #tpu.memory_space<vmem>>) target_semaphore(%run_scoped3A : memref<!tpu.dma_semaphore, #tpu.memory_space<semaphore_mem>>)
      %dma_wait3A = arith.constant 0 : i32
      %dma_wait3A_20 = arith.constant 0 : i32
      %dma_wait3A_21 = tpu.memref_slice %arg3[%arg0, %arg1, %dma_wait3A, %dma_wait3A_20] : memref<2x16x79x128xi32, #tpu.memory_space<hbm>> -> memref<1x1x79x128xi32, #tpu.memory_space<hbm>>
      %dma_wait3A_22 = tpu.memref_squeeze %dma_wait3A_21 : memref<1x1x79x128xi32, #tpu.memory_space<hbm>> -> memref<79x128xi32, #tpu.memory_space<hbm>>
      %dma_wait3A_23 = arith.constant 0 : i32
      %dma_wait3A_24 = arith.constant 0 : i32
      %dma_wait3A_25 = tpu.memref_slice %arg3[%arg0, %arg1, %dma_wait3A_23, %dma_wait3A_24] : memref<2x16x79x128xi32, #tpu.memory_space<hbm>> -> memref<1x1x79x128xi32, #tpu.memory_space<hbm>>
      %dma_wait3A_26 = tpu.memref_squeeze %dma_wait3A_25 : memref<1x1x79x128xi32, #tpu.memory_space<hbm>> -> memref<79x128xi32, #tpu.memory_space<hbm>>
      tpu.wait_dma2 semaphore(%run_scoped3A : memref<!tpu.dma_semaphore, #tpu.memory_space<semaphore_mem>>) src(%dma_wait3A_26 : memref<79x128xi32, #tpu.memory_space<hbm>>) dst(%arg8 : memref<79x128xi32, #tpu.memory_space<vmem>>)
      tpu.yield
    }) : () -> ()
    %mul3A = arith.constant 632 : i32
    %mul3A_0 = arith.muli %arg1, %mul3A : i32
    %mul3A_1 = arith.constant 632 : i32
    %mul3A_2 = arith.muli %arg1, %mul3A_1 : i32
    "tpu.region"() ({
      %run_scoped3A = tpu.sem_alloc : memref<!tpu.dma_semaphore, #tpu.memory_space<semaphore_mem>>
      %dma_start3A = arith.constant 0 : i32
      %dma_start3A_13 = tpu.memref_slice %arg10[%mul3A_2, %dma_start3A] : memref<10112x128xf32, #tpu.memory_space<vmem_shared>> -> memref<632x128xf32, #tpu.memory_space<vmem_shared>>
      %dma_start3A_14 = arith.constant 0 : i32
      %dma_start3A_15 = tpu.memref_slice %arg5[%mul3A_0, %dma_start3A_14] : memref<10112x128xf32, #tpu.memory_space<hbm>> -> memref<632x128xf32, #tpu.memory_space<hbm>>
      tpu.enqueue_dma source(%dma_start3A_15 : memref<632x128xf32, #tpu.memory_space<hbm>>) target(%dma_start3A_13 : memref<632x128xf32, #tpu.memory_space<vmem_shared>>) target_semaphore(%run_scoped3A : memref<!tpu.dma_semaphore, #tpu.memory_space<semaphore_mem>>)
      %dma_wait3A = arith.constant 0 : i32
      %dma_wait3A_16 = tpu.memref_slice %arg10[%mul3A_2, %dma_wait3A] : memref<10112x128xf32, #tpu.memory_space<vmem_shared>> -> memref<632x128xf32, #tpu.memory_space<vmem_shared>>
      %dma_wait3A_17 = arith.constant 0 : i32
      %dma_wait3A_18 = tpu.memref_slice %arg5[%mul3A_0, %dma_wait3A_17] : memref<10112x128xf32, #tpu.memory_space<hbm>> -> memref<632x128xf32, #tpu.memory_space<hbm>>
      tpu.wait_dma2 semaphore(%run_scoped3A : memref<!tpu.dma_semaphore, #tpu.memory_space<semaphore_mem>>) src(%dma_wait3A_18 : memref<632x128xf32, #tpu.memory_space<hbm>>) dst(%dma_wait3A_16 : memref<632x128xf32, #tpu.memory_space<vmem_shared>>)
      tpu.yield
    }) : () -> ()
    %barrier3A = arith.constant 0 : index
    tpu.barrier barrier_id(%barrier3A)
    %scan3A = arith.constant 0 : i32
    %scan3A_3 = arith.constant 0 : i32
    %scan3A_4 = arith.constant 79 : i32
    %scan3A_5 = arith.addi %scan3A_3, %scan3A_4 : i32
    %scan3A_6 = arith.constant 1 : i32
    scf.for %scan3A_13 = %scan3A_3 to %scan3A_5 step %scan3A_6  : i32 {
      "tpu.region"() ({
        %run_scoped3A = tpu.sem_alloc : memref<!tpu.dma_semaphore, #tpu.memory_space<semaphore_mem>>
        %dma_start3A = arith.constant 0 : i32
        %dma_start3A_14 = tpu.memref_slice %arg7[%scan3A_13, %dma_start3A] : memref<79x128xi32, #tpu.memory_space<vmem>> -> memref<1x128xi32, #tpu.memory_space<vmem>>
        %dma_start3A_15 = tpu.memref_squeeze %dma_start3A_14 : memref<1x128xi32, #tpu.memory_space<vmem>> -> memref<128xi32, #tpu.memory_space<vmem>>
        %dma_start3A_16 = arith.constant 0 : i32
        %dma_start3A_17 = arith.constant 0 : i32
        %dma_start3A_18 = tpu.memref_slice %arg4[%dma_start3A_16, %dma_start3A_17] : memref<10000x128xf32, #tpu.memory_space<hbm>> -> memref<10000x128xf32, #tpu.memory_space<hbm>>
        tpu.enqueue_indirect_dma source(%dma_start3A_18 : memref<10000x128xf32, #tpu.memory_space<hbm>>) target(%arg9 : memref<128x128xf32, #tpu.memory_space<vmem>>) offsets(%dma_start3A_15 : memref<128xi32, #tpu.memory_space<vmem>>) semaphore(%run_scoped3A : memref<!tpu.dma_semaphore, #tpu.memory_space<semaphore_mem>>)
        %dma_wait3A = arith.constant 0 : i32
        %dma_wait3A_19 = tpu.memref_slice %arg7[%scan3A_13, %dma_wait3A] : memref<79x128xi32, #tpu.memory_space<vmem>> -> memref<1x128xi32, #tpu.memory_space<vmem>>
        %dma_wait3A_20 = tpu.memref_squeeze %dma_wait3A_19 : memref<1x128xi32, #tpu.memory_space<vmem>> -> memref<128xi32, #tpu.memory_space<vmem>>
        %dma_wait3A_21 = arith.constant 0 : i32
        %dma_wait3A_22 = arith.constant 0 : i32
        %dma_wait3A_23 = tpu.memref_slice %arg4[%dma_wait3A_21, %dma_wait3A_22] : memref<10000x128xf32, #tpu.memory_space<hbm>> -> memref<10000x128xf32, #tpu.memory_space<hbm>>
        tpu.wait_indirect_dma semaphore(%run_scoped3A : memref<!tpu.dma_semaphore, #tpu.memory_space<semaphore_mem>>) src(%dma_wait3A_23 : memref<10000x128xf32, #tpu.memory_space<hbm>>) dst(%arg9 : memref<128x128xf32, #tpu.memory_space<vmem>>)
        tpu.yield
      }) : () -> ()
      "tpu.region"() ({
        %run_scoped3A = tpu.sem_alloc : memref<!tpu.dma_semaphore, #tpu.memory_space<semaphore_mem>>
        %dma_start3A = arith.constant 0 : i32
        %dma_start3A_14 = tpu.memref_slice %arg8[%scan3A_13, %dma_start3A] : memref<79x128xi32, #tpu.memory_space<vmem>> -> memref<1x128xi32, #tpu.memory_space<vmem>>
        %dma_start3A_15 = tpu.memref_squeeze %dma_start3A_14 : memref<1x128xi32, #tpu.memory_space<vmem>> -> memref<128xi32, #tpu.memory_space<vmem>>
        %dma_start3A_16 = arith.constant 0 : i32
        %dma_start3A_17 = arith.constant 0 : i32
        %dma_start3A_18 = tpu.memref_slice %arg10[%dma_start3A_16, %dma_start3A_17] : memref<10112x128xf32, #tpu.memory_space<vmem_shared>> -> memref<10112x128xf32, #tpu.memory_space<vmem_shared>>
        tpu.enqueue_indirect_dma source(%arg9 : memref<128x128xf32, #tpu.memory_space<vmem>>) target(%dma_start3A_18 : memref<10112x128xf32, #tpu.memory_space<vmem_shared>>) offsets(%dma_start3A_15 : memref<128xi32, #tpu.memory_space<vmem>>) semaphore(%run_scoped3A : memref<!tpu.dma_semaphore, #tpu.memory_space<semaphore_mem>>) {add = true}
        %dma_wait3A = arith.constant 0 : i32
        %dma_wait3A_19 = tpu.memref_slice %arg8[%scan3A_13, %dma_wait3A] : memref<79x128xi32, #tpu.memory_space<vmem>> -> memref<1x128xi32, #tpu.memory_space<vmem>>
        %dma_wait3A_20 = tpu.memref_squeeze %dma_wait3A_19 : memref<1x128xi32, #tpu.memory_space<vmem>> -> memref<128xi32, #tpu.memory_space<vmem>>
        %dma_wait3A_21 = arith.constant 0 : i32
        %dma_wait3A_22 = arith.constant 0 : i32
        %dma_wait3A_23 = tpu.memref_slice %arg10[%dma_wait3A_21, %dma_wait3A_22] : memref<10112x128xf32, #tpu.memory_space<vmem_shared>> -> memref<10112x128xf32, #tpu.memory_space<vmem_shared>>
        tpu.wait_indirect_dma semaphore(%run_scoped3A : memref<!tpu.dma_semaphore, #tpu.memory_space<semaphore_mem>>) src(%arg9 : memref<128x128xf32, #tpu.memory_space<vmem>>) dst(%dma_wait3A_23 : memref<10112x128xf32, #tpu.memory_space<vmem_shared>>)
        tpu.yield
      }) : () -> ()
    }
    %scan3A_7 = arith.constant 79 : i32
    %barrier3A_8 = arith.constant 0 : index
    tpu.barrier barrier_id(%barrier3A_8)
    %mul3A_9 = arith.constant 632 : i32
    %mul3A_10 = arith.muli %arg1, %mul3A_9 : i32
    %mul3A_11 = arith.constant 632 : i32
    %mul3A_12 = arith.muli %arg1, %mul3A_11 : i32
    "tpu.region"() ({
      %run_scoped3A = tpu.sem_alloc : memref<!tpu.dma_semaphore, #tpu.memory_space<semaphore_mem>>
      %dma_start3A = arith.constant 0 : i32
      %dma_start3A_13 = tpu.memref_slice %arg6[%arg0, %mul3A_12, %dma_start3A] : memref<2x10112x128xf32, #tpu.memory_space<hbm>> -> memref<1x632x128xf32, #tpu.memory_space<hbm>>
      %dma_start3A_14 = tpu.memref_squeeze %dma_start3A_13 : memref<1x632x128xf32, #tpu.memory_space<hbm>> -> memref<632x128xf32, #tpu.memory_space<hbm>>
      %dma_start3A_15 = arith.constant 0 : i32
      %dma_start3A_16 = tpu.memref_slice %arg10[%mul3A_10, %dma_start3A_15] : memref<10112x128xf32, #tpu.memory_space<vmem_shared>> -> memref<632x128xf32, #tpu.memory_space<vmem_shared>>
      tpu.enqueue_dma source(%dma_start3A_16 : memref<632x128xf32, #tpu.memory_space<vmem_shared>>) target(%dma_start3A_14 : memref<632x128xf32, #tpu.memory_space<hbm>>) target_semaphore(%run_scoped3A : memref<!tpu.dma_semaphore, #tpu.memory_space<semaphore_mem>>)
      %dma_wait3A = arith.constant 0 : i32
      %dma_wait3A_17 = tpu.memref_slice %arg6[%arg0, %mul3A_12, %dma_wait3A] : memref<2x10112x128xf32, #tpu.memory_space<hbm>> -> memref<1x632x128xf32, #tpu.memory_space<hbm>>
      %dma_wait3A_18 = tpu.memref_squeeze %dma_wait3A_17 : memref<1x632x128xf32, #tpu.memory_space<hbm>> -> memref<632x128xf32, #tpu.memory_space<hbm>>
      %dma_wait3A_19 = arith.constant 0 : i32
      %dma_wait3A_20 = tpu.memref_slice %arg10[%mul3A_10, %dma_wait3A_19] : memref<10112x128xf32, #tpu.memory_space<vmem_shared>> -> memref<632x128xf32, #tpu.memory_space<vmem_shared>>
      tpu.wait_dma2 semaphore(%run_scoped3A : memref<!tpu.dma_semaphore, #tpu.memory_space<semaphore_mem>>) src(%dma_wait3A_20 : memref<632x128xf32, #tpu.memory_space<vmem_shared>>) dst(%dma_wait3A_18 : memref<632x128xf32, #tpu.memory_space<hbm>>)
      tpu.yield
    }) : () -> ()
    return
  }
}

module attributes {stable_mosaic.version = 14 : i64} {
  func.func @_tc1_body(%arg0: i32, %arg1: memref<1000x128xf32, #tpu.memory_space<vmem>>, %arg2: memref<128x128xf32, #tpu.memory_space<vmem>>, %arg3: memref<2x1000x128xf32, #tpu.memory_space<vmem>>, %arg4: memref<1000x128xf32, #tpu.memory_space<vmem>>) attributes {dimension_semantics = [#tpu.dimension_semantics<arbitrary>], iteration_bounds = array<i64: 10>, scalar_prefetch = 0 : i64, scratch_operands = 0 : i64, tpu.core_type = #tpu.core_type<tc>, window_params = [{transform_indices = @transform_0, window_bounds = array<i64: 1000, 128>}, {pipeline_mode = #tpu.pipeline_mode<synchronous>, transform_indices = @transform_1, window_bounds = array<i64: 128, 128>}, {transform_indices = @transform_2, window_bounds = array<i64: 2, 1000, 128>}, {transform_indices = @transform_3, window_bounds = array<i64: 1000, 128>}]} {
    %get3A = arith.constant 0 : index
    %get3A_0 = arith.constant 0 : index
    %get3A_1 = arith.constant 0 : index
    %get3A_2 = vector.load %arg3[%get3A, %get3A_0, %get3A_1] : memref<2x1000x128xf32, #tpu.memory_space<vmem>>, vector<1x1000x1xf32>
    %get3A_3 = vector.shape_cast %get3A_2 : vector<1x1000x1xf32> to vector<1000x1xf32>
    %get3A_4 = arith.constant 1 : index
    %get3A_5 = arith.constant 0 : index
    %get3A_6 = arith.constant 0 : index
    %get3A_7 = vector.load %arg3[%get3A_4, %get3A_5, %get3A_6] : memref<2x1000x128xf32, #tpu.memory_space<vmem>>, vector<1x1000x1xf32>
    %get3A_8 = vector.shape_cast %get3A_7 : vector<1x1000x1xf32> to vector<1000x1xf32>
    %add3A = arith.addf %get3A_3, %get3A_8 : vector<1000x1xf32>
    %add3A_9 = arith.constant 1.000000e+00 : f32
    %add3A_10 = vector.broadcast %add3A_9 : f32 to vector<1000x1xf32>
    %add3A_11 = arith.addf %add3A, %add3A_10 : vector<1000x1xf32>
    %rsqrt3A = math.rsqrt %add3A_11 : vector<1000x1xf32>
    %get3A_12 = arith.constant 0 : index
    %get3A_13 = arith.constant 0 : index
    %get3A_14 = vector.load %arg1[%get3A_12, %get3A_13] : memref<1000x128xf32, #tpu.memory_space<vmem>>, vector<1000x128xf32>
    %get3A_15 = arith.constant 0 : index
    %get3A_16 = arith.constant 0 : index
    %get3A_17 = vector.load %arg2[%get3A_15, %get3A_16] : memref<128x128xf32, #tpu.memory_space<vmem>>, vector<128x128xf32>
    %dot_general3A = arith.constant dense<0.000000e+00> : vector<1000x128xf32>
    %dot_general3A_18 = tpu.matmul %get3A_14, %get3A_17, %dot_general3A {dimension_numbers = #tpu.dot_dimension_numbers<[1], [0], [0], [1], [0, 0, 1, 1], [], []>, transpose_lhs_hint = false} : vector<1000x128xf32>, vector<128x128xf32>, vector<1000x128xf32> -> vector<1000x128xf32>
    %mul3A = vector.broadcast %rsqrt3A : vector<1000x1xf32> to vector<1000x128xf32>
    %mul3A_19 = arith.mulf %dot_general3A_18, %mul3A : vector<1000x128xf32>
    %swap3A = arith.constant 0 : index
    %swap3A_20 = arith.constant 0 : index
    %swap3A_21 = vector.load %arg4[%swap3A, %swap3A_20] : memref<1000x128xf32, #tpu.memory_space<vmem>>, vector<1000x128xf32>
    tpu.vector_store %arg4[%swap3A, %swap3A_20], %mul3A_19 {strides = array<i32>} : memref<1000x128xf32, #tpu.memory_space<vmem>>, vector<1000x128xf32>,
    return
  }
  func.func @transform_0(%arg0: i32) -> (i32, i32) {
    %c0_i32 = arith.constant 0 : i32
    %c0_i32_0 = arith.constant 0 : i32
    return %arg0, %c0_i32 : i32, i32
  }
  func.func @transform_1(%arg0: i32) -> (i32, i32) {
    %c0_i32 = arith.constant 0 : i32
    %c0_i32_0 = arith.constant 0 : i32
    %c0_i32_1 = arith.constant 0 : i32
    return %c0_i32, %c0_i32_0 : i32, i32
  }
  func.func @transform_2(%arg0: i32) -> (i32, i32, i32) {
    %c0_i32 = arith.constant 0 : i32
    %c0_i32_0 = arith.constant 0 : i32
    %c0_i32_1 = arith.constant 0 : i32
    return %c0_i32, %arg0, %c0_i32_0 : i32, i32, i32
  }
  func.func @transform_3(%arg0: i32) -> (i32, i32) {
    %c0_i32 = arith.constant 0 : i32
    %c0_i32_0 = arith.constant 0 : i32
    return %arg0, %c0_i32 : i32, i32
  }
}

module attributes {stable_mosaic.version = 14 : i64} {
  func.func @_tc4_body(%arg0: i32, %arg1: memref<2x1000x128xf32, #tpu.memory_space<vmem>>, %arg2: memref<1000x128xf32, #tpu.memory_space<vmem>>, %arg3: memref<2x1000x128xf32, #tpu.memory_space<vmem>>, %arg4: memref<128xf32, #tpu.memory_space<vmem>>, %arg5: memref<1000x128xf32, #tpu.memory_space<vmem>>) attributes {dimension_semantics = [#tpu.dimension_semantics<arbitrary>], iteration_bounds = array<i64: 10>, scalar_prefetch = 0 : i64, scratch_operands = 0 : i64, tpu.core_type = #tpu.core_type<tc>, window_params = [{transform_indices = @transform_0, window_bounds = array<i64: 2, 1000, 128>}, {transform_indices = @transform_1, window_bounds = array<i64: 1000, 128>}, {transform_indices = @transform_2, window_bounds = array<i64: 2, 1000, 128>}, {pipeline_mode = #tpu.pipeline_mode<synchronous>, transform_indices = @transform_3, window_bounds = array<i64: 128>}, {transform_indices = @transform_4, window_bounds = array<i64: 1000, 128>}]} {
    %get3A = arith.constant 0 : index
    %get3A_0 = arith.constant 0 : index
    %get3A_1 = arith.constant 0 : index
    %get3A_2 = vector.load %arg3[%get3A, %get3A_0, %get3A_1] : memref<2x1000x128xf32, #tpu.memory_space<vmem>>, vector<1x1000x1xf32>
    %get3A_3 = vector.shape_cast %get3A_2 : vector<1x1000x1xf32> to vector<1000x1xf32>
    %get3A_4 = arith.constant 1 : index
    %get3A_5 = arith.constant 0 : index
    %get3A_6 = arith.constant 0 : index
    %get3A_7 = vector.load %arg3[%get3A_4, %get3A_5, %get3A_6] : memref<2x1000x128xf32, #tpu.memory_space<vmem>>, vector<1x1000x1xf32>
    %get3A_8 = vector.shape_cast %get3A_7 : vector<1x1000x1xf32> to vector<1000x1xf32>
    %add3A = arith.addf %get3A_3, %get3A_8 : vector<1000x1xf32>
    %add3A_9 = arith.constant 1.000000e+00 : f32
    %add3A_10 = vector.broadcast %add3A_9 : f32 to vector<1000x1xf32>
    %add3A_11 = arith.addf %add3A, %add3A_10 : vector<1000x1xf32>
    %rsqrt3A = math.rsqrt %add3A_11 : vector<1000x1xf32>
    %get3A_12 = arith.constant 0 : index
    %get3A_13 = arith.constant 0 : index
    %get3A_14 = arith.constant 0 : index
    %get3A_15 = vector.load %arg1[%get3A_12, %get3A_13, %get3A_14] : memref<2x1000x128xf32, #tpu.memory_space<vmem>>, vector<1x1000x128xf32>
    %get3A_16 = vector.shape_cast %get3A_15 : vector<1x1000x128xf32> to vector<1000x128xf32>
    %get3A_17 = arith.constant 1 : index
    %get3A_18 = arith.constant 0 : index
    %get3A_19 = arith.constant 0 : index
    %get3A_20 = vector.load %arg1[%get3A_17, %get3A_18, %get3A_19] : memref<2x1000x128xf32, #tpu.memory_space<vmem>>, vector<1x1000x128xf32>
    %get3A_21 = vector.shape_cast %get3A_20 : vector<1x1000x128xf32> to vector<1000x128xf32>
    %add3A_22 = arith.addf %get3A_16, %get3A_21 : vector<1000x128xf32>
    %get3A_23 = arith.constant 0 : index
    %get3A_24 = arith.constant 0 : index
    %get3A_25 = vector.load %arg2[%get3A_23, %get3A_24] : memref<1000x128xf32, #tpu.memory_space<vmem>>, vector<1000x128xf32>
    %add3A_26 = arith.addf %add3A_22, %get3A_25 : vector<1000x128xf32>
    %mul3A = vector.broadcast %rsqrt3A : vector<1000x1xf32> to vector<1000x128xf32>
    %mul3A_27 = arith.mulf %add3A_26, %mul3A : vector<1000x128xf32>
    %get3A_28 = arith.constant 0 : index
    %get3A_29 = vector.load %arg4[%get3A_28] : memref<128xf32, #tpu.memory_space<vmem>>, vector<128xf32>
    %broadcast_in_dim3A = vector.shape_cast %get3A_29 : vector<128xf32> to vector<1x128xf32>
    %add3A_30 = vector.broadcast %broadcast_in_dim3A : vector<1x128xf32> to vector<1000x128xf32>
    %add3A_31 = arith.addf %mul3A_27, %add3A_30 : vector<1000x128xf32>
    %iota3A = tpu.iota {dimensions = array<i32: 1>} : vector<1000x128xi32>
    %lt3A = arith.constant 40 : i32
    %lt3A_32 = vector.broadcast %lt3A : i32 to vector<1000x128xi32>
    %lt3A_33 = arith.cmpi slt, %iota3A, %lt3A_32 : vector<1000x128xi32>
    %jit3A = arith.constant 0xFF800000 : f32
    %broadcast_in_dim3A_34 = vector.broadcast %jit3A : f32 to vector<1000x128xf32>
    %select_n3A = arith.select %lt3A_33, %add3A_31, %broadcast_in_dim3A_34 : vector<1000x128xi1>, vector<1000x128xf32>
    %reduce_max3A = arith.constant dense<0xFF800000> : vector<1000xf32>
    %reduce_max3A_35 = vector.multi_reduction <maximumf>, %select_n3A, %reduce_max3A [1] : vector<1000x128xf32> to vector<1000xf32>
    %broadcast_in_dim3A_36 = vector.shape_cast %reduce_max3A_35 : vector<1000xf32> to vector<1000x1xf32>
    %lt3A_37 = arith.constant 40 : i32
    %lt3A_38 = vector.broadcast %lt3A_37 : i32 to vector<1000x128xi32>
    %lt3A_39 = arith.cmpi slt, %iota3A, %lt3A_38 : vector<1000x128xi32>
    %sub3A = vector.broadcast %broadcast_in_dim3A_36 : vector<1000x1xf32> to vector<1000x128xf32>
    %sub3A_40 = arith.subf %add3A_31, %sub3A : vector<1000x128xf32>
    %exp3A = math.exp %sub3A_40 : vector<1000x128xf32>
    %jit3A_41 = arith.constant 0.000000e+00 : f32
    %broadcast_in_dim3A_42 = vector.broadcast %jit3A_41 : f32 to vector<1000x128xf32>
    %select_n3A_43 = arith.select %lt3A_39, %exp3A, %broadcast_in_dim3A_42 : vector<1000x128xi1>, vector<1000x128xf32>
    %reduce_sum3A = arith.constant dense<0.000000e+00> : vector<1000xf32>
    %reduce_sum3A_44 = vector.multi_reduction <add>, %select_n3A_43, %reduce_sum3A [1] : vector<1000x128xf32> to vector<1000xf32>
    %broadcast_in_dim3A_45 = vector.shape_cast %reduce_sum3A_44 : vector<1000xf32> to vector<1000x1xf32>
    %log3A = math.log %broadcast_in_dim3A_45 : vector<1000x1xf32>
    %sub3A_46 = vector.broadcast %broadcast_in_dim3A_36 : vector<1000x1xf32> to vector<1000x128xf32>
    %sub3A_47 = arith.subf %add3A_31, %sub3A_46 : vector<1000x128xf32>
    %sub3A_48 = vector.broadcast %log3A : vector<1000x1xf32> to vector<1000x128xf32>
    %sub3A_49 = arith.subf %sub3A_47, %sub3A_48 : vector<1000x128xf32>
    %swap3A = arith.constant 0 : index
    %swap3A_50 = arith.constant 0 : index
    %swap3A_51 = vector.load %arg5[%swap3A, %swap3A_50] : memref<1000x128xf32, #tpu.memory_space<vmem>>, vector<1000x128xf32>
    tpu.vector_store %arg5[%swap3A, %swap3A_50], %sub3A_49 {strides = array<i32>} : memref<1000x128xf32, #tpu.memory_space<vmem>>, vector<1000x128xf32>,
    return
  }
  func.func @transform_0(%arg0: i32) -> (i32, i32, i32) {
    %c0_i32 = arith.constant 0 : i32
    %c0_i32_0 = arith.constant 0 : i32
    %c0_i32_1 = arith.constant 0 : i32
    return %c0_i32, %arg0, %c0_i32_0 : i32, i32, i32
  }
  func.func @transform_1(%arg0: i32) -> (i32, i32) {
    %c0_i32 = arith.constant 0 : i32
    %c0_i32_0 = arith.constant 0 : i32
    return %arg0, %c0_i32 : i32, i32
  }
  func.func @transform_2(%arg0: i32) -> (i32, i32, i32) {
    %c0_i32 = arith.constant 0 : i32
    %c0_i32_0 = arith.constant 0 : i32
    %c0_i32_1 = arith.constant 0 : i32
    return %c0_i32, %arg0, %c0_i32_0 : i32, i32, i32
  }
  func.func @transform_3(%arg0: i32) -> i32 {
    %c0_i32 = arith.constant 0 : i32
    %c0_i32_0 = arith.constant 0 : i32
    return %c0_i32 : i32
  }
  func.func @transform_4(%arg0: i32) -> (i32, i32) {
    %c0_i32 = arith.constant 0 : i32
    %c0_i32_0 = arith.constant 0 : i32
    return %arg0, %c0_i32 : i32, i32
  }
}

module attributes {stable_mosaic.version = 14 : i64} {
  func.func @_tc_mid_body(%arg0: i32, %arg1: memref<2x1000x128xf32, #tpu.memory_space<vmem>>, %arg2: memref<1000x128xf32, #tpu.memory_space<vmem>>, %arg3: memref<2x1000x128xf32, #tpu.memory_space<vmem>>, %arg4: memref<128xf32, #tpu.memory_space<vmem>>, %arg5: memref<128x128xf32, #tpu.memory_space<vmem>>, %arg6: memref<1000x128xf32, #tpu.memory_space<vmem>>) attributes {dimension_semantics = [#tpu.dimension_semantics<arbitrary>], iteration_bounds = array<i64: 10>, scalar_prefetch = 0 : i64, scratch_operands = 0 : i64, tpu.core_type = #tpu.core_type<tc>, window_params = [{transform_indices = @transform_0, window_bounds = array<i64: 2, 1000, 128>}, {transform_indices = @transform_1, window_bounds = array<i64: 1000, 128>}, {transform_indices = @transform_2, window_bounds = array<i64: 2, 1000, 128>}, {pipeline_mode = #tpu.pipeline_mode<synchronous>, transform_indices = @transform_3, window_bounds = array<i64: 128>}, {pipeline_mode = #tpu.pipeline_mode<synchronous>, transform_indices = @transform_4, window_bounds = array<i64: 128, 128>}, {transform_indices = @transform_5, window_bounds = array<i64: 1000, 128>}]} {
    %get3A = arith.constant 0 : index
    %get3A_0 = arith.constant 0 : index
    %get3A_1 = arith.constant 0 : index
    %get3A_2 = vector.load %arg3[%get3A, %get3A_0, %get3A_1] : memref<2x1000x128xf32, #tpu.memory_space<vmem>>, vector<1x1000x1xf32>
    %get3A_3 = vector.shape_cast %get3A_2 : vector<1x1000x1xf32> to vector<1000x1xf32>
    %get3A_4 = arith.constant 1 : index
    %get3A_5 = arith.constant 0 : index
    %get3A_6 = arith.constant 0 : index
    %get3A_7 = vector.load %arg3[%get3A_4, %get3A_5, %get3A_6] : memref<2x1000x128xf32, #tpu.memory_space<vmem>>, vector<1x1000x1xf32>
    %get3A_8 = vector.shape_cast %get3A_7 : vector<1x1000x1xf32> to vector<1000x1xf32>
    %add3A = arith.addf %get3A_3, %get3A_8 : vector<1000x1xf32>
    %add3A_9 = arith.constant 1.000000e+00 : f32
    %add3A_10 = vector.broadcast %add3A_9 : f32 to vector<1000x1xf32>
    %add3A_11 = arith.addf %add3A, %add3A_10 : vector<1000x1xf32>
    %rsqrt3A = math.rsqrt %add3A_11 : vector<1000x1xf32>
    %get3A_12 = arith.constant 0 : index
    %get3A_13 = arith.constant 0 : index
    %get3A_14 = arith.constant 0 : index
    %get3A_15 = vector.load %arg1[%get3A_12, %get3A_13, %get3A_14] : memref<2x1000x128xf32, #tpu.memory_space<vmem>>, vector<1x1000x128xf32>
    %get3A_16 = vector.shape_cast %get3A_15 : vector<1x1000x128xf32> to vector<1000x128xf32>
    %get3A_17 = arith.constant 1 : index
    %get3A_18 = arith.constant 0 : index
    %get3A_19 = arith.constant 0 : index
    %get3A_20 = vector.load %arg1[%get3A_17, %get3A_18, %get3A_19] : memref<2x1000x128xf32, #tpu.memory_space<vmem>>, vector<1x1000x128xf32>
    %get3A_21 = vector.shape_cast %get3A_20 : vector<1x1000x128xf32> to vector<1000x128xf32>
    %add3A_22 = arith.addf %get3A_16, %get3A_21 : vector<1000x128xf32>
    %get3A_23 = arith.constant 0 : index
    %get3A_24 = arith.constant 0 : index
    %get3A_25 = vector.load %arg2[%get3A_23, %get3A_24] : memref<1000x128xf32, #tpu.memory_space<vmem>>, vector<1000x128xf32>
    %add3A_26 = arith.addf %add3A_22, %get3A_25 : vector<1000x128xf32>
    %mul3A = vector.broadcast %rsqrt3A : vector<1000x1xf32> to vector<1000x128xf32>
    %mul3A_27 = arith.mulf %add3A_26, %mul3A : vector<1000x128xf32>
    %get3A_28 = arith.constant 0 : index
    %get3A_29 = vector.load %arg4[%get3A_28] : memref<128xf32, #tpu.memory_space<vmem>>, vector<128xf32>
    %broadcast_in_dim3A = vector.shape_cast %get3A_29 : vector<128xf32> to vector<1x128xf32>
    %add3A_30 = vector.broadcast %broadcast_in_dim3A : vector<1x128xf32> to vector<1000x128xf32>
    %add3A_31 = arith.addf %mul3A_27, %add3A_30 : vector<1000x128xf32>
    %max3A = arith.constant 0.000000e+00 : f32
    %max3A_32 = vector.broadcast %max3A : f32 to vector<1000x128xf32>
    %max3A_33 = arith.maximumf %add3A_31, %max3A_32 : vector<1000x128xf32>
    %get3A_34 = arith.constant 0 : index
    %get3A_35 = arith.constant 0 : index
    %get3A_36 = vector.load %arg5[%get3A_34, %get3A_35] : memref<128x128xf32, #tpu.memory_space<vmem>>, vector<128x128xf32>
    %dot_general3A = arith.constant dense<0.000000e+00> : vector<1000x128xf32>
    %dot_general3A_37 = tpu.matmul %max3A_33, %get3A_36, %dot_general3A {dimension_numbers = #tpu.dot_dimension_numbers<[1], [0], [0], [1], [0, 0, 1, 1], [], []>, transpose_lhs_hint = false} : vector<1000x128xf32>, vector<128x128xf32>, vector<1000x128xf32> -> vector<1000x128xf32>
    %mul3A_38 = vector.broadcast %rsqrt3A : vector<1000x1xf32> to vector<1000x128xf32>
    %mul3A_39 = arith.mulf %dot_general3A_37, %mul3A_38 : vector<1000x128xf32>
    %swap3A = arith.constant 0 : index
    %swap3A_40 = arith.constant 0 : index
    %swap3A_41 = vector.load %arg6[%swap3A, %swap3A_40] : memref<1000x128xf32, #tpu.memory_space<vmem>>, vector<1000x128xf32>
    tpu.vector_store %arg6[%swap3A, %swap3A_40], %mul3A_39 {strides = array<i32>} : memref<1000x128xf32, #tpu.memory_space<vmem>>, vector<1000x128xf32>,
    return
  }
  func.func @transform_0(%arg0: i32) -> (i32, i32, i32) {
    %c0_i32 = arith.constant 0 : i32
    %c0_i32_0 = arith.constant 0 : i32
    %c0_i32_1 = arith.constant 0 : i32
    return %c0_i32, %arg0, %c0_i32_0 : i32, i32, i32
  }
  func.func @transform_1(%arg0: i32) -> (i32, i32) {
    %c0_i32 = arith.constant 0 : i32
    %c0_i32_0 = arith.constant 0 : i32
    return %arg0, %c0_i32 : i32, i32
  }
  func.func @transform_2(%arg0: i32) -> (i32, i32, i32) {
    %c0_i32 = arith.constant 0 : i32
    %c0_i32_0 = arith.constant 0 : i32
    %c0_i32_1 = arith.constant 0 : i32
    return %c0_i32, %arg0, %c0_i32_0 : i32, i32, i32
  }
  func.func @transform_3(%arg0: i32) -> i32 {
    %c0_i32 = arith.constant 0 : i32
    %c0_i32_0 = arith.constant 0 : i32
    return %c0_i32 : i32
  }
  func.func @transform_4(%arg0: i32) -> (i32, i32) {
    %c0_i32 = arith.constant 0 : i32
    %c0_i32_0 = arith.constant 0 : i32
    %c0_i32_1 = arith.constant 0 : i32
    return %c0_i32, %c0_i32_0 : i32, i32
  }
  func.func @transform_5(%arg0: i32) -> (i32, i32) {
    %c0_i32 = arith.constant 0 : i32
    %c0_i32_0 = arith.constant 0 : i32
    return %arg0, %c0_i32 : i32, i32
  }
}

</mosaic_0001>

<sc_bundles>
// kernel: kernel.10.cloned.1.call-start
scs
__scs_entry_jumppad:
0x0: {  	(pc) =	sbr.rel $0x88, $3  }
0x1: {  	(tag) =	ssettag $0x0;
	lr =	simm.s32 $0x1  }
0x2: {  	[smem:$0x3F99] =	sst lr;
	_ =	strace $0xD0000000  }
0x3: {  	_ = 	snop  }
0x4: {  	_ = 	snop  }
0x5: {  	_ = 	snop  }
0x6: {  	_ = 	snop  }
0x7: {  	_ = 	snop  }
__scs_overlays_trampoline_lowered:
0x8: {  	[smem:$0x3FA8] =	sst s0  }
0x9: {  	[smem:$0x3FA9] =	sst s1  }
0xa: {  	[smem:$0x3FAA] =	sst s2  }
0xb: {  	[smem:$0x3FAB] =	sst s3  }
0xc: {  	[smem:$0x3FAC] =	sst s4  }
0xd: {  	[smem:$0x3FAD] =	sst s5  }
0xe: {  	[smem:$0x3FAE] =	sst s6  }
0xf: {  	[smem:$0x3FAF] =	sst s7  }
0x10: {  	[smem:$0x3FB0] =	sst s8  }
0x11: {  	[smem:$0x3FB1] =	sst s9;
	s0 =	simm.s32 @!p0 $0x0  }
0x12: {  	s1 =	sld [smem:$0x3F97];
	s0 =	simm.s32 @p0 $0x1  }
0x13: {  	[smem:$0x3FB2] =	sst s0;
	s0 =	simm.s32 @!p1 $0x0  }
0x14: {  	s2 =	sld [smem:$0x3F96];
	s0 =	simm.s32 @p1 $0x1  }
0x15: {  	[smem:$0x3FB3] =	sst s0;
	s0 =	simm.s32 @!p2 $0x0  }
0x16: {  	s3 =	sld [smem:$0x3FDB];
	s0 =	simm.s32 @p2 $0x1  }
0x17: {  	s4 =	simm.s32 $0x1BF5;
	[smem:$0x3FB5] =	sst s0  }
0x18: {  	s0 =	sld [smem:$0x3F98];
	_ =	swait.ge [sflag:s4], $0x0  }
0x19: {  	s7 =	sld [smem:$0x3F99]  }
0x1a: {  	s8 =	sadd.s32 $0xFFFFE003, lr  }
0x1b: {  	s9 =	sadd.s32 $0xFFFFFEF7, lr;
	s5 =	simm.s32 $0xFFFFFFFF;
	p2 =	slt.u32 s8, $0xFFFFF086  }
0x1c: {  	p1 =	slt.u32 s9, $0xF7A;
	s5 =	simm.s32 @!p2 $0x0  }
0x1d: {  	s5 =	simm.s32 @p1 $0x1;
	p0 =	seq.s32 s7, s2  }
0x1e: {  	s7 =	smul.u32 @!p0 $0xF7A, s2;
	p2 =	seq.s32 @!p0 s5, $0x0  }
0x1f: {  	s9 =	smul.u32 $0xF7A, s1;
	s8 =	simm.s32 @!p0 $0x1BF5;
	p2 =	por !p2, p0  }
0x20: {  	[sflag:s8] =	ssyncset.s32 @!p0 $0xFFFFF086;
	s6 =	sadd.s32 @!p0 s3, s7;
	s7 =	simm.s32 @!p0 $0x108  }
0x21: {  	s3 =	sadd.s32 s3, s9;
	s6 =	sadd.s32 @!p0 $0x88, s6;
	s7 =	simm.s32 @p2 $0x1082  }
0x22: {  	[simem:s7], [sflag:s8] =	dma.local @!p0 [hbm:s6], $0xF7A  }
0x23: {  	s9 =	sor.u32 $0xD0000000, s2;
	s6 =	simm.s32 $0x108;
	_ =	swait.ge @!p0 [sflag:s8], $0x0  }
0x24: {  	s3 =	sadd.s32 $0x88, s3;
	s6 =	simm.s32 @!p1 $0x1082;
	[sflag:s4] =	ssyncset.s32 $0xFFFFF086  }
0x25: {  	[simem:s6], [sflag:s4] =	dma.local [hbm:s3], $0xF7A  }
0x26: {  	[smem:$0x3F99] =	sst s1;
	(tag) =	ssettag s2;
	_ =	strace s9  }
0x27: {  	s1 =	sld [smem:$0x3FA9]  }
0x28: {  	s2 =	sld [smem:$0x3FAA]  }
0x29: {  	s4 =	sld [smem:$0x3FAC]  }
0x2a: {  	p0 =	seq.s32 s5, $0x0;
	s5 =	sld [smem:$0x3FAD]  }
0x2b: {  	s6 =	sld [smem:$0x3FAE]  }
0x2c: {  	s7 =	sld [smem:$0x3FAF]  }
0x2d: {  	s3 =	simm.s32 $0x108;
	s8 =	sld [smem:$0x3FB0]  }
0x2e: {  	s3 =	simm.s32 @!p0 $0x1082;
	s9 =	sld [smem:$0x3FB1]  }
0x2f: {  	lr =	sadd.s32 s0, s3;
	s0 =	sld [smem:$0x3FA8]  }
0x30: {  	s3 =	sld [smem:$0x3FAB]  }
0x31: {  	[smem:$0x3FB4] =	sst s10  }
0x32: {  	s10 =	sld [smem:$0x3FB2];
	_ =	sdelay $0x3  }
0x33: {  	p0 =	seq.s32 s10, $0x1;
	s10 =	sld [smem:$0x3FB4];
	_ =	sdelay $0x3  }
0x34: {  	[smem:$0x3FB4] =	sst s10  }
0x35: {  	s10 =	sld [smem:$0x3FB3];
	_ =	sdelay $0x3  }
0x36: {  	p1 =	seq.s32 s10, $0x1;
	s10 =	sld [smem:$0x3FB4];
	_ =	sdelay $0x3  }
0x37: {  	[smem:$0x3FB4] =	sst s10  }
0x38: {  	s10 =	sld [smem:$0x3FB5]  }
0x39: {  	_ = 	snop;
	(pc) =	sbr.ind lr, $3  }
0x3a: {  	_ = 	snop  }
0x3b: {  	_ = 	snop  }
0x3c: {  	p2 =	seq.s32 s10, $0x1;
	s10 =	sld [smem:$0x3FB4]  }
0x3d: {  	_ =	shalt  }
0x3e: {  	_ =	shalt  }
0x3f: {  	_ =	shalt  }
0x40: {  	_ =	shalt  }
0x41: {  	_ =	shalt  }
0x42: {  	_ =	shalt  }
0x43: {  	_ =	shalt  }
0x44: {  	_ =	shalt  }
0x45: {  	_ =	shalt  }
0x46: {  	_ =	shalt  }
0x47: {  	_ =	shalt  }
0x48: {  	_ =	shalt  }
0x49: {  	_ =	shalt  }
0x4a: {  	_ =	shalt  }
0x4b: {  	_ =	shalt  }
0x4c: {  	_ =	shalt  }
0x4d: {  	_ =	shalt  }
0x4e: {  	_ =	shalt  }
0x4f: {  	_ =	shalt  }
0x50: {  	_ =	shalt  }
0x51: {  	_ =	shalt  }
0x52: {  	_ =	shalt  }
0x53: {  	_ =	shalt  }
0x54: {  	_ =	shalt  }
0x55: {  	_ =	shalt  }
0x56: {  	_ =	shalt  }
0x57: {  	_ =	shalt  }
0x58: {  	_ =	shalt  }
0x59: {  	_ =	shalt  }
0x5a: {  	_ =	shalt  }
0x5b: {  	_ =	shalt  }
0x5c: {  	_ =	shalt  }
0x5d: {  	_ =	shalt  }
0x5e: {  	_ =	shalt  }
0x5f: {  	_ =	shalt  }
0x60: {  	_ =	shalt  }
0x61: {  	_ =	shalt  }
0x62: {  	_ =	shalt  }
0x63: {  	_ =	shalt  }
0x64: {  	_ =	shalt  }
0x65: {  	_ =	shalt  }
0x66: {  	_ =	shalt  }
0x67: {  	_ =	shalt  }
0x68: {  	_ =	shalt  }
0x69: {  	_ =	shalt  }
0x6a: {  	_ =	shalt  }
0x6b: {  	_ =	shalt  }
0x6c: {  	_ =	shalt  }
0x6d: {  	_ =	shalt  }
0x6e: {  	_ =	shalt  }
0x6f: {  	_ =	shalt  }
0x70: {  	_ =	shalt  }
0x71: {  	_ =	shalt  }
0x72: {  	_ =	shalt  }
0x73: {  	_ =	shalt  }
0x74: {  	_ =	shalt  }
0x75: {  	_ =	shalt  }
0x76: {  	_ =	shalt  }
0x77: {  	_ =	shalt  }
0x78: {  	_ =	shalt  }
0x79: {  	_ =	shalt  }
0x7a: {  	_ =	shalt  }
0x7b: {  	_ =	shalt  }
0x7c: {  	_ =	shalt  }
0x7d: {  	_ =	shalt  }
0x7e: {  	_ =	shalt  }
0x7f: {  	_ =	shalt  }
0x80: {  	_ =	shalt  }
0x81: {  	_ =	shalt  }
0x82: {  	_ =	shalt  }
0x83: {  	_ =	shalt  }
0x84: {  	_ =	shalt  }
0x85: {  	_ =	shalt  }
0x86: {  	_ =	shalt  }
0x87: {  	_ =	shalt  }
.Lfunc_end0:
.L_simem_size_0:
called_computation_lowered:
.L_overlay_start_0:
0x88: {  	s2 =	sld [smem:$0x3FD9]  }
0x89: {  	s3 =	sld [smem:$0x3FFE];
	_ =	sdelay $0x1  }
0x8a: {  	s1 =	srdreg.scid  }
0x8b: {  	s0 =	sand.u32 $0x1, s1  }
0x8c: {  	s16 =	sshll.u32 s0, $0xA;
	s2 =	sadd.s32 s3, s2  }
0x8d: {  	s2 =	sadd.s32 s2, s16  }
0x8e: {  	[smem:$0x3FC0] =	sst s2  }
0x8f: {  	_ = 	snop  }
0x90: {  	(tm) =	ssettm $0x1  }
0x91: {  	s17 =	sld [smem:$0x3FFB];
	_ =	sdelay $0x3  }
0x92: {  	_ =	strace s17  }
0x93: {  	s2 =	sld [smem:$0x3FFC];
	_ =	sdelay $0x3  }
0x94: {  	_ =	strace s2  }
0x95: {  	s2 =	sld [smem:$0x3FFD];
	_ =	sdelay $0x3  }
0x96: {  	_ =	strace s2  }
0x97: {  	_ =	strace $0x8FFFFFFF  }
0x98: {  	s18 =	sld [smem:$0x3FDB];
	_ =	sdelay $0x1  }
0x99: {  	s19 =	simm.s32 $_scs_section_size  }
0x9a: {  	s4 =	simm.s32 $_size__tile_overlayer_lowered;
	s5 =	simm.s32 $_tile_overlayer_lowered  }
0x9b: {  	s22 =	simm.s32 $0x1BFF;
	s21 =	sshll.u32 s5, $0x1;
	s2 =	sadd.s32 s19, s18  }
0x9c: {  	s6 =	simm.s32 $0x0;
	s20 =	sshll.u32 s4, $0x1;
	s4 =	sadd.s32 s21, s2  }
0x9d: {  	[timem:s6], [sflag:s22] =	dma.local [hbm:s4], s20  }
0x9e: {  	_ =	swait.ge [sflag:s22], s20  }
0x9f: {  	s3 =	ssub.s32 $0x0, s20;
	[sflag:s22] =	ssyncset.done $0x0  }
0xa0: {  	[sflag:s22] =	ssyncadd.s32 s3;
	_ =	sdelay $0x1  }
0xa1: {  	s23 =	simm.s32 $0x1B8B  }
0xa2: {  	_ =	swait.ge [sflag:s23], $0x1  }
0xa3: {  	[sflag:s23] =	ssyncset.done $0x0  }
0xa4: {  	s25 =	simm.s32 $0x1B8E;
	s24 =	sld [smem:$0x3FFE];
	[sflag:s23] =	ssyncadd.s32 $0xFFFFFFFF  }
0xa5: {  	s26 =	simm.s32 $execute0_lowered;
	[smem:$0x3FD2] =	sst s25  }
0xa6: {  	s4 =	sshll.u32 s26, $0x1;
	_ =	strace $0x80000046;
	[dreg:$0x1] =	wrdreg $0xFFFFFFFF  }
0xa7: {  	s28 =	simm.s32 $_size_execute0_lowered;
	s2 =	sadd.s32 s2, s4;
	[dreg:$0x0] =	wrdreg $0x0  }
0xa8: {  	s4 =	sshll.u32 s28, $0x1;
	[dreg:$0x2] =	wrdreg s2  }
0xa9: {  	[dreg:$0x3] =	wrdreg s4  }
0xaa: {  	[dreg:$0x4] =	wrdreg $0xC0  }
0xab: {  	_ =	task [dreg:s6], $0x5FFFF  }
0xac: {  	[dreg:$0x1] =	wrdreg $0xFFFFFFFF  }
0xad: {  	[dreg:$0x0] =	wrdreg $0x60  }
0xae: {  	[dreg:$0x2] =	wrdreg s24  }
0xaf: {  	[dreg:$0x3] =	wrdreg $0x68000  }
0xb0: {  	[dreg:$0x4] =	wrdreg $0x9  }
0xb1: {  	_ =	task.clear_ibuf [dreg:s6], $0x5FFFF;
	_ =	strace $0x90000046  }
0xb2: {  	s29 =	simm.s32 $0x9;
	_ =	strace $0x80000048  }
0xb3: {  	_ =	swait.ge [sflag:s29], $0x1  }
0xb4: {  	[sflag:s29] =	ssyncadd.s32 $0xFFFFFFFF  }
0xb5: {  	_ =	strace $0x90000048  }
0xb6: {  	_ =	sfence  }
0xb7: {  	s30 =	sld [smem:$0x0];
	_ =	sdelay $0x2  }
0xb8: {  	s31 =	sshll.u32 s1, $0xD;
	s1 =	sshrl.u32 s1, $0x2  }
0xb9: {  	s3 =	sand.u32 $0x4000, s31;
	s1 =	sadd.s32 s1, s30  }
0xba: {  	s0 =	sor.u32 s3, s0;
	s1 =	sshll.u32 s1, $0x11  }
0xbb: {  	s0 =	sor.u32 s1, s0  }
0xbc: {  	s0 =	sadd.s32 $0x8F2B, s0  }
0xbd: {  	[sflag:s0] =	ssyncadd.remote.s32 $0x1  }
0xbe: {  	_ =	sfence.sel $0xFFFF  }
0xbf: {  	[dreg:$0x0] =	wrdreg $0xFFFFFFFF;
	(pc) =	sbr.abs _section_cstart, $3  }
0xc0: {  	[dreg:$0x1] =	wrdreg $0xFFFFFFFF  }
0xc1: {  	_ =	task.clear_ibuf [dreg:s6], $0x2FFFF;
	_ =	strace $0x9FFFFFFF  }
0xc2: {  	(tm) =	ssettm $0x7FFFFFFF  }
0xc3: {  	_ =	shalt  }
tec
execute0_lowered:
.L_overlay_start_1:
0x0: {  	(tag) =	ssettag $0x1  }
0x1: {  	s0 =	srdreg.scid;
	s5 =	rddreg [dreg:$0x0]  }
0x2: {  	s2 =	rddreg [dreg:$0x1];
	s6 =	sand.u32 $0x1, s0  }
0x3: {  	s0 =	stileid.u32;
	s4 =	smul.u32 $0x28000, s6  }
0x4: {  	s1 =	rddreg [dreg:$0x2];
	s3 =	simm.s32 $0x0;
	s7 =	smul.u32 $0x2800, s0  }
0x5: {  	s13 =	simm.s32 $0x80;
	[smem:$0x7FF] =	sst s3;
	s28 =	smul.u32 $0x13C00, s0  }
0x6: {  	s14 =	simm.s32 $0x0;
	_ =	strace $0x80000047;
	s8 =	smul.u32 $0x13C000, s6  }
0x7: {  	s6 =	ssub.s32 $0x2, s6;
	s29 =	smul.u32 $0x4F000, s0;
	s31 =	sshll.u32 s0, $0x6  }
0x8: {  	s11 =	sshrl.u32 s6, $0x1;
	s4 =	sadd.s32 s7, s4;
	s10 =	sshrl.u32 s28, $0x3  }
0x9: {  	s7 =	sadd.s32 s28, s8;
	s11 =	ssub.s32 s6, s11;
	s30 =	sshrl.u32 s29, $0x2  }
0xa: {  	s4 =	sshrl.u32 s4, $0x3;
	s10 =	sadd.s32 s10, s5;
	s7 =	sshrl.u32 s7, $0x3  }
0xb: {  	s12 =	sadd.s32 s30, s2;
	s8 =	smax.u32 s11, $0x1;
	s11 =	sor.u32 $0x1C01, s31  }
0xc: {  	s9 =	sadd.s32 s4, s5;
	s4 =	sadd.s32 $0x34800, s5;
	s7 =	sadd.s32 s7, s5  }
0xd: {  	s6 =	sadd.s32 $0xD000, s10;
	s10 =	simm.s32 $0x1;
	s12 =	sshrl.u32 s12, $0x3  }
0xe: {  	s5 =	sadd.s32 $0x3000, s9;
	s7 =	sadd.s32 $0x35000, s7;
	s9 =	simm.s32 $0x2800  }
.LBB2_1:
0xf: {  	[tilespmem:s9], [sflag:$0x1] =	stream.linear.gather [hbm4b:s4+s3], $0x4000, $0x38;
	[tilespmem:$0x1A400] =	vst v63  }
0x10: {  	_ =	swait.ge [sflag:s10], $0x4000  }
0x11: {  	[sflag:s10] =	ssyncset.done $0x0  }
0x12: {  	[sflag:s10] =	ssyncadd.s32 $0xFFFFC000  }
0x13: {  	[tilespmem:s3], [sflag:$0x1] =	stream.linear.gather [hbm4b:s5+s3], $0x2780, $0x38;
	[tilespmem:$0x1A400] =	vst v63  }
0x14: {  	_ =	swait.ge [sflag:s10], $0x2780  }
0x15: {  	[sflag:s10] =	ssyncset.done $0x0  }
0x16: {  	[sflag:s10] =	ssyncadd.s32 $0xFFFFD880  }
0x17: {  	[spmem:s12], [sflag:s11] =	dma.local [hbm:s6], $0x2780  }
0x18: {  	_ =	swait.ge [sflag:s10], $0x2780  }
0x19: {  	[sflag:s10] =	ssyncset.done $0x0  }
0x1a: {  	[sflag:s10] =	ssyncadd.s32 $0xFFFFD880  }
0x1b: {  	s15 =	simm.s32 $0x0;
	[bflag:$0x0] =	sbarrier.arrive $0xFFFF  }
0x1c: {  	[spmem:s2] =	stream.indirect.scatter.add.f32 [tilespmem:s9], [sflag:$0x1], $0x80, s15, s13, $0xb8;
	[tilespmem:$0x1A400] =	vst v63  }
0x1d: {  	_ =	swait.ge [sflag:s10], $0x4000  }
0x1e: {  	s15 =	simm.s32 $0x200;
	[sflag:s10] =	ssyncset.done $0x0  }
.LBB2_2:
0x1f: {  	s16 =	sshra.s32 s15, $0x2;
	[sflag:s10] =	ssyncadd.s32 $0xFFFFC000;
	p0 =	sne.s32 s15, $0x9C00  }
0x20: {  	[spmem:s2] =	stream.indirect.scatter.add.f32 [tilespmem:s9], [sflag:$0x1], $0x80, s16, s13, $0xb8;
	[tilespmem:$0x1A400] =	vst v63  }
.Ltmp0:
0x21: {  	_ = 	snop;
	(pc) =	sbr.rel @p0 .LBB2_2-.Ltmp0, $4  }
0x22: {  	_ = 	snop  }
0x23: {  	s15 =	sadd.s32 $0x200, s15  }
0x24: {  	_ =	swait.ge [sflag:s10], $0x4000  }
0x25: {  	[sflag:s10] =	ssyncset.done $0x0  }
0x26: {  	s14 =	sadd.s32 $0x1, s14  }
0x27: {  	[sflag:s10] =	ssyncadd.s32 $0xFFFFC000;
	p0 =	sne.s32 s14, s8  }
.Ltmp1:
0x28: {  	[bflag:$0x0] =	sbarrier.arrive $0xFFFF;
	(pc) =	sbr.rel @p0 .LBB2_1-.Ltmp1, $4  }
0x29: {  	[hbm:s7], [sflag:s11] =	dma.local [spmem:s12], $0x2780  }
0x2a: {  	_ =	swait.ge [sflag:s10], $0x2780  }
0x2b: {  	[sflag:s10] =	ssyncset.done $0x0  }
0x2c: {  	[sflag:s10] =	ssyncadd.s32 $0xFFFFD880  }
0x2d: {  	_ =	sfence.sel $0x180000  }
0x2e: {  	[bflag:$0x0] =	sbarrier.arrive $0xFFFF  }
0x2f: {  	p0 =	sne.s32 s0, $0x0;
	_ =	strace $0x90000047  }
0x30: {  	s0 =	sadd.s32 @!p0 $0x100000, s1;
	[bflag:$0x2] =	sbarrier.arrive $0xFFFF  }
0x31: {  	[sflag:s0] =	ssyncadd.tile.s32 @!p0 $0x1;
	_ =	shalt  }
.Lfunc_end2:
_tile_overlayer_lowered:
.L_overlay_start_2:
0x32: {  	(tag) =	ssettag $0x2  }
0x33: {  	s0 =	rddreg [dreg:$0x0];
	s2 =	stileid.u32  }
0x34: {  	s1 =	rddreg [dreg:$0x1];
	p0 =	sne.s32 s2, $0x0  }
0x35: {  	s3 =	rddreg [dreg:$0x2];
	[bflag:$0x3] =	sbarrier.arrive $0xFFFF;
	s2 =	simm.s32 @!p0 $0x1C01  }
0x36: {  	[timem:s3], [sflag:s2] =	dma.local @!p0 [hbm:s0], s1  }
0x37: {  	s0 =	simm.s32 @!p0 $0x1  }
0x38: {  	_ =	swait.ge @!p0 [sflag:s0], s1  }
0x39: {  	s1 =	ssub.s32 @!p0 $0x0, s1;
	[sflag:s0] =	ssyncset.done @!p0 $0x0  }
0x3a: {  	[sflag:s0] =	ssyncadd.s32 @!p0 s1  }
0x3b: {  	[bflag:$0x3] =	sbarrier.arrive $0xFFFF  }
0x3c: {  	_ =	shalt  }

// kernel: kernel.13.cloned.1.call-start
scs
__scs_entry_jumppad:
0x0: {  	(pc) =	sbr.rel $0x88, $3  }
0x1: {  	(tag) =	ssettag $0x0;
	lr =	simm.s32 $0x1  }
0x2: {  	[smem:$0x3F99] =	sst lr;
	_ =	strace $0xD0000000  }
0x3: {  	_ = 	snop  }
0x4: {  	_ = 	snop  }
0x5: {  	_ = 	snop  }
0x6: {  	_ = 	snop  }
0x7: {  	_ = 	snop  }
__scs_overlays_trampoline_lowered:
0x8: {  	[smem:$0x3FA8] =	sst s0  }
0x9: {  	[smem:$0x3FA9] =	sst s1  }
0xa: {  	[smem:$0x3FAA] =	sst s2  }
0xb: {  	[smem:$0x3FAB] =	sst s3  }
0xc: {  	[smem:$0x3FAC] =	sst s4  }
0xd: {  	[smem:$0x3FAD] =	sst s5  }
0xe: {  	[smem:$0x3FAE] =	sst s6  }
0xf: {  	[smem:$0x3FAF] =	sst s7  }
0x10: {  	[smem:$0x3FB0] =	sst s8  }
0x11: {  	[smem:$0x3FB1] =	sst s9;
	s0 =	simm.s32 @!p0 $0x0  }
0x12: {  	s1 =	sld [smem:$0x3F97];
	s0 =	simm.s32 @p0 $0x1  }
0x13: {  	[smem:$0x3FB2] =	sst s0;
	s0 =	simm.s32 @!p1 $0x0  }
0x14: {  	s2 =	sld [smem:$0x3F96];
	s0 =	simm.s32 @p1 $0x1  }
0x15: {  	[smem:$0x3FB3] =	sst s0;
	s0 =	simm.s32 @!p2 $0x0  }
0x16: {  	s3 =	sld [smem:$0x3FDB];
	s0 =	simm.s32 @p2 $0x1  }
0x17: {  	s4 =	simm.s32 $0x1BF5;
	[smem:$0x3FB5] =	sst s0  }
0x18: {  	s0 =	sld [smem:$0x3F98];
	_ =	swait.ge [sflag:s4], $0x0  }
0x19: {  	s7 =	sld [smem:$0x3F99]  }
0x1a: {  	s8 =	sadd.s32 $0xFFFFE003, lr  }
0x1b: {  	s9 =	sadd.s32 $0xFFFFFEF7, lr;
	s5 =	simm.s32 $0xFFFFFFFF;
	p2 =	slt.u32 s8, $0xFFFFF086  }
0x1c: {  	p1 =	slt.u32 s9, $0xF7A;
	s5 =	simm.s32 @!p2 $0x0  }
0x1d: {  	s5 =	simm.s32 @p1 $0x1;
	p0 =	seq.s32 s7, s2  }
0x1e: {  	s7 =	smul.u32 @!p0 $0xF7A, s2;
	p2 =	seq.s32 @!p0 s5, $0x0  }
0x1f: {  	s9 =	smul.u32 $0xF7A, s1;
	s8 =	simm.s32 @!p0 $0x1BF5;
	p2 =	por !p2, p0  }
0x20: {  	[sflag:s8] =	ssyncset.s32 @!p0 $0xFFFFF086;
	s6 =	sadd.s32 @!p0 s3, s7;
	s7 =	simm.s32 @!p0 $0x108  }
0x21: {  	s3 =	sadd.s32 s3, s9;
	s6 =	sadd.s32 @!p0 $0x88, s6;
	s7 =	simm.s32 @p2 $0x1082  }
0x22: {  	[simem:s7], [sflag:s8] =	dma.local @!p0 [hbm:s6], $0xF7A  }
0x23: {  	s9 =	sor.u32 $0xD0000000, s2;
	s6 =	simm.s32 $0x108;
	_ =	swait.ge @!p0 [sflag:s8], $0x0  }
0x24: {  	s3 =	sadd.s32 $0x88, s3;
	s6 =	simm.s32 @!p1 $0x1082;
	[sflag:s4] =	ssyncset.s32 $0xFFFFF086  }
0x25: {  	[simem:s6], [sflag:s4] =	dma.local [hbm:s3], $0xF7A  }
0x26: {  	[smem:$0x3F99] =	sst s1;
	(tag) =	ssettag s2;
	_ =	strace s9  }
0x27: {  	s1 =	sld [smem:$0x3FA9]  }
0x28: {  	s2 =	sld [smem:$0x3FAA]  }
0x29: {  	s4 =	sld [smem:$0x3FAC]  }
0x2a: {  	p0 =	seq.s32 s5, $0x0;
	s5 =	sld [smem:$0x3FAD]  }
0x2b: {  	s6 =	sld [smem:$0x3FAE]  }
0x2c: {  	s7 =	sld [smem:$0x3FAF]  }
0x2d: {  	s3 =	simm.s32 $0x108;
	s8 =	sld [smem:$0x3FB0]  }
0x2e: {  	s3 =	simm.s32 @!p0 $0x1082;
	s9 =	sld [smem:$0x3FB1]  }
0x2f: {  	lr =	sadd.s32 s0, s3;
	s0 =	sld [smem:$0x3FA8]  }
0x30: {  	s3 =	sld [smem:$0x3FAB]  }
0x31: {  	[smem:$0x3FB4] =	sst s10  }
0x32: {  	s10 =	sld [smem:$0x3FB2];
	_ =	sdelay $0x3  }
0x33: {  	p0 =	seq.s32 s10, $0x1;
	s10 =	sld [smem:$0x3FB4];
	_ =	sdelay $0x3  }
0x34: {  	[smem:$0x3FB4] =	sst s10  }
0x35: {  	s10 =	sld [smem:$0x3FB3];
	_ =	sdelay $0x3  }
0x36: {  	p1 =	seq.s32 s10, $0x1;
	s10 =	sld [smem:$0x3FB4];
	_ =	sdelay $0x3  }
0x37: {  	[smem:$0x3FB4] =	sst s10  }
0x38: {  	s10 =	sld [smem:$0x3FB5]  }
0x39: {  	_ = 	snop;
	(pc) =	sbr.ind lr, $3  }
0x3a: {  	_ = 	snop  }
0x3b: {  	_ = 	snop  }
0x3c: {  	p2 =	seq.s32 s10, $0x1;
	s10 =	sld [smem:$0x3FB4]  }
0x3d: {  	_ =	shalt  }
0x3e: {  	_ =	shalt  }
0x3f: {  	_ =	shalt  }
0x40: {  	_ =	shalt  }
0x41: {  	_ =	shalt  }
0x42: {  	_ =	shalt  }
0x43: {  	_ =	shalt  }
0x44: {  	_ =	shalt  }
0x45: {  	_ =	shalt  }
0x46: {  	_ =	shalt  }
0x47: {  	_ =	shalt  }
0x48: {  	_ =	shalt  }
0x49: {  	_ =	shalt  }
0x4a: {  	_ =	shalt  }
0x4b: {  	_ =	shalt  }
0x4c: {  	_ =	shalt  }
0x4d: {  	_ =	shalt  }
0x4e: {  	_ =	shalt  }
0x4f: {  	_ =	shalt  }
0x50: {  	_ =	shalt  }
0x51: {  	_ =	shalt  }
0x52: {  	_ =	shalt  }
0x53: {  	_ =	shalt  }
0x54: {  	_ =	shalt  }
0x55: {  	_ =	shalt  }
0x56: {  	_ =	shalt  }
0x57: {  	_ =	shalt  }
0x58: {  	_ =	shalt  }
0x59: {  	_ =	shalt  }
0x5a: {  	_ =	shalt  }
0x5b: {  	_ =	shalt  }
0x5c: {  	_ =	shalt  }
0x5d: {  	_ =	shalt  }
0x5e: {  	_ =	shalt  }
0x5f: {  	_ =	shalt  }
0x60: {  	_ =	shalt  }
0x61: {  	_ =	shalt  }
0x62: {  	_ =	shalt  }
0x63: {  	_ =	shalt  }
0x64: {  	_ =	shalt  }
0x65: {  	_ =	shalt  }
0x66: {  	_ =	shalt  }
0x67: {  	_ =	shalt  }
0x68: {  	_ =	shalt  }
0x69: {  	_ =	shalt  }
0x6a: {  	_ =	shalt  }
0x6b: {  	_ =	shalt  }
0x6c: {  	_ =	shalt  }
0x6d: {  	_ =	shalt  }
0x6e: {  	_ =	shalt  }
0x6f: {  	_ =	shalt  }
0x70: {  	_ =	shalt  }
0x71: {  	_ =	shalt  }
0x72: {  	_ =	shalt  }
0x73: {  	_ =	shalt  }
0x74: {  	_ =	shalt  }
0x75: {  	_ =	shalt  }
0x76: {  	_ =	shalt  }
0x77: {  	_ =	shalt  }
0x78: {  	_ =	shalt  }
0x79: {  	_ =	shalt  }
0x7a: {  	_ =	shalt  }
0x7b: {  	_ =	shalt  }
0x7c: {  	_ =	shalt  }
0x7d: {  	_ =	shalt  }
0x7e: {  	_ =	shalt  }
0x7f: {  	_ =	shalt  }
0x80: {  	_ =	shalt  }
0x81: {  	_ =	shalt  }
0x82: {  	_ =	shalt  }
0x83: {  	_ =	shalt  }
0x84: {  	_ =	shalt  }
0x85: {  	_ =	shalt  }
0x86: {  	_ =	shalt  }
0x87: {  	_ =	shalt  }
.Lfunc_end0:
.L_simem_size_0:
called_computation.1_lowered:
.L_overlay_start_0:
0x88: {  	s2 =	sld [smem:$0x3FD9]  }
0x89: {  	s3 =	sld [smem:$0x3FFE];
	_ =	sdelay $0x1  }
0x8a: {  	s1 =	srdreg.scid  }
0x8b: {  	s0 =	sand.u32 $0x1, s1  }
0x8c: {  	s17 =	sshll.u32 s0, $0xA;
	s2 =	sadd.s32 s3, s2  }
0x8d: {  	s2 =	sadd.s32 s2, s17  }
0x8e: {  	[smem:$0x3FC0] =	sst s2  }
0x8f: {  	_ = 	snop  }
0x90: {  	s2 =	sld [smem:$0x3FD0];
	(tm) =	ssettm $0x1  }
0x91: {  	s18 =	sld [smem:$0x3FFB];
	_ =	sdelay $0x3  }
0x92: {  	_ =	strace s18  }
0x93: {  	s3 =	sld [smem:$0x3FFC];
	_ =	sdelay $0x3  }
0x94: {  	_ =	strace s3  }
0x95: {  	s3 =	sld [smem:$0x3FFD];
	_ =	sdelay $0x3  }
0x96: {  	_ =	strace s3  }
0x97: {  	_ =	strace $0x8FFFFFFF  }
0x98: {  	s19 =	sld [smem:$0x3FDB];
	_ =	sdelay $0x1  }
0x99: {  	s4 =	simm.s32 $_scs_section_size  }
0x9a: {  	s5 =	simm.s32 $_size__tile_overlayer_lowered;
	s6 =	simm.s32 $_tile_overlayer_lowered  }
0x9b: {  	s22 =	simm.s32 $0x1BFF;
	s21 =	sshll.u32 s6, $0x1;
	s3 =	sadd.s32 s4, s19  }
0x9c: {  	s7 =	simm.s32 $0x0;
	s20 =	sshll.u32 s5, $0x1;
	s5 =	sadd.s32 s21, s3  }
0x9d: {  	[timem:s7], [sflag:s22] =	dma.local [hbm:s5], s20  }
0x9e: {  	_ =	swait.ge [sflag:s22], s20  }
0x9f: {  	s4 =	ssub.s32 $0x0, s20;
	[sflag:s22] =	ssyncset.done $0x0  }
0xa0: {  	[sflag:s22] =	ssyncadd.s32 s4;
	_ =	sdelay $0x1  }
0xa1: {  	s23 =	simm.s32 $0x1B8B  }
0xa2: {  	_ =	swait.ge [sflag:s23], $0x1  }
0xa3: {  	[sflag:s23] =	ssyncset.done $0x0  }
0xa4: {  	s25 =	simm.s32 $0x1B8E;
	s24 =	sld [smem:$0x3FFE];
	[sflag:s23] =	ssyncadd.s32 $0xFFFFFFFF  }
0xa5: {  	s26 =	simm.s32 $execute0_lowered;
	[smem:$0x3FD2] =	sst s25  }
0xa6: {  	s5 =	sshll.u32 s26, $0x1;
	_ =	strace $0x80000049;
	[dreg:$0x1] =	wrdreg $0xFFFFFFFF  }
0xa7: {  	s28 =	simm.s32 $_size_execute0_lowered;
	s3 =	sadd.s32 s3, s5;
	[dreg:$0x0] =	wrdreg $0x0  }
0xa8: {  	s5 =	sshll.u32 s28, $0x1;
	[dreg:$0x2] =	wrdreg s3  }
0xa9: {  	[dreg:$0x3] =	wrdreg s5  }
0xaa: {  	[dreg:$0x4] =	wrdreg $0xC0  }
0xab: {  	_ =	task [dreg:s7], $0x5FFFF  }
0xac: {  	[dreg:$0x1] =	wrdreg $0xFFFFFFFF  }
0xad: {  	[dreg:$0x0] =	wrdreg $0x60  }
0xae: {  	[dreg:$0x2] =	wrdreg s2  }
0xaf: {  	[dreg:$0x3] =	wrdreg s24  }
0xb0: {  	[dreg:$0x4] =	wrdreg $0x90000  }
0xb1: {  	[dreg:$0x5] =	wrdreg $0x9  }
0xb2: {  	_ =	task.clear_ibuf [dreg:s7], $0x6FFFF;
	_ =	strace $0x90000049  }
0xb3: {  	s29 =	simm.s32 $0x9;
	_ =	strace $0x8000004B  }
0xb4: {  	_ =	swait.ge [sflag:s29], $0x1  }
0xb5: {  	[sflag:s29] =	ssyncadd.s32 $0xFFFFFFFF  }
0xb6: {  	_ =	strace $0x9000004B  }
0xb7: {  	_ =	sfence  }
0xb8: {  	s30 =	sld [smem:$0x0];
	_ =	sdelay $0x2  }
0xb9: {  	s31 =	sshll.u32 s1, $0xD;
	s1 =	sshrl.u32 s1, $0x2  }
0xba: {  	s3 =	sand.u32 $0x4000, s31;
	s1 =	sadd.s32 s1, s30  }
0xbb: {  	s0 =	sor.u32 s3, s0;
	s1 =	sshll.u32 s1, $0x11  }
0xbc: {  	s0 =	sor.u32 s1, s0  }
0xbd: {  	s0 =	sadd.s32 $0x8F2B, s0  }
0xbe: {  	[sflag:s0] =	ssyncadd.remote.s32 $0x1  }
0xbf: {  	_ =	sfence.sel $0xFFFF  }
0xc0: {  	[dreg:$0x0] =	wrdreg $0xFFFFFFFF;
	(pc) =	sbr.abs _section_cstart, $3  }
0xc1: {  	[dreg:$0x1] =	wrdreg $0xFFFFFFFF  }
0xc2: {  	_ =	task.clear_ibuf [dreg:s7], $0x2FFFF;
	_ =	strace $0x9FFFFFFF  }
0xc3: {  	(tm) =	ssettm $0x7FFFFFFF  }
tec
execute0_lowered:
.L_overlay_start_1:
0x0: {  	(tag) =	ssettag $0x1  }
0x1: {  	s5 =	rddreg [dreg:$0x0]  }
0x2: {  	s6 =	rddreg [dreg:$0x1]  }
0x3: {  	s0 =	srdreg.scid;
	s2 =	rddreg [dreg:$0x2]  }
0x4: {  	s1 =	rddreg [dreg:$0x3];
	s7 =	sand.u32 $0x1, s0  }
0x5: {  	s3 =	simm.s32 $0x0;
	s0 =	stileid.u32;
	s4 =	smul.u32 $0x28000, s7  }
0x6: {  	s14 =	simm.s32 $0x80;
	s15 =	simm.s32 $0x5000;
	s8 =	smul.u32 $0x2800, s0  }
0x7: {  	s16 =	simm.s32 $0x0;
	[smem:$0x7FF] =	sst s3;
	s28 =	smul.u32 $0x13C00, s0  }
0x8: {  	s10 =	smul.u32 $0x13C000, s7;
	_ =	strace $0x8000004A;
	s7 =	ssub.s32 $0x2, s7  }
0x9: {  	s13 =	smul.u32 $0x4F000, s0;
	s31 =	sshll.u32 s0, $0x6;
	s29 =	sshrl.u32 s7, $0x1  }
0xa: {  	s4 =	sadd.s32 s8, s4;
	s12 =	sshrl.u32 s28, $0x3;
	s8 =	sadd.s32 s28, s10  }
0xb: {  	s10 =	ssub.s32 s7, s29;
	s30 =	sshrl.u32 s13, $0x2;
	s9 =	sshrl.u32 s4, $0x3  }
0xc: {  	s4 =	sadd.s32 $0x84000, s6;
	s8 =	sshrl.u32 s8, $0x3;
	s12 =	sadd.s32 s12, s6  }
0xd: {  	s13 =	sadd.s32 s30, s2;
	s11 =	sadd.s32 s9, s6;
	s8 =	sadd.s32 s8, s6  }
0xe: {  	s5 =	sadd.s32 s5, s9;
	s7 =	sadd.s32 $0xD000, s12;
	s9 =	smax.u32 s10, $0x1  }
0xf: {  	s10 =	simm.s32 $0x1;
	s12 =	sor.u32 $0x1C01, s31;
	s13 =	sshrl.u32 s13, $0x3  }
0x10: {  	s6 =	sadd.s32 $0x3000, s11;
	s8 =	sadd.s32 $0xAB200, s8;
	s11 =	simm.s32 $0x2800  }
.LBB2_1:
0x11: {  	[tilespmem:s3], [sflag:$0x1] =	stream.linear.gather [hbm4b:s5+s3], $0x2780, $0x38;
	[tilespmem:$0x1CC00] =	vst v63  }
0x12: {  	_ =	swait.ge [sflag:s10], $0x2780  }
0x13: {  	[sflag:s10] =	ssyncset.done $0x0  }
0x14: {  	[sflag:s10] =	ssyncadd.s32 $0xFFFFD880  }
0x15: {  	[tilespmem:s11], [sflag:$0x1] =	stream.linear.gather [hbm4b:s6+s3], $0x2780, $0x38;
	[tilespmem:$0x1CC00] =	vst v63  }
0x16: {  	_ =	swait.ge [sflag:s10], $0x2780  }
0x17: {  	[sflag:s10] =	ssyncset.done $0x0  }
0x18: {  	[sflag:s10] =	ssyncadd.s32 $0xFFFFD880  }
0x19: {  	[spmem:s13], [sflag:s12] =	dma.local [hbm:s7], $0x2780  }
0x1a: {  	_ =	swait.ge [sflag:s10], $0x2780  }
0x1b: {  	[sflag:s10] =	ssyncset.done $0x0  }
0x1c: {  	[sflag:s10] =	ssyncadd.s32 $0xFFFFD880  }
0x1d: {  	s17 =	simm.s32 $0x0;
	[bflag:$0x0] =	sbarrier.arrive $0xFFFF  }
0x1e: {  	[tilespmem:s15], [sflag:$0x1] =	stream.indirect.gather [hbm4b:s4+s14], $0x80, s17, s14, $0xb8;
	[tilespmem:$0x1CC00] =	vst v63  }
0x1f: {  	_ =	swait.ge [sflag:s10], $0x4000  }
0x20: {  	[sflag:s10] =	ssyncset.done $0x0  }
0x21: {  	s31 =	simm.s32 $0x2800;
	[sflag:s10] =	ssyncadd.s32 $0xFFFFC000  }
0x22: {  	[spmem:s2] =	stream.indirect.scatter.add.f32 [tilespmem:s15], [sflag:$0x1], $0x80, s31, s14, $0xb8;
	[tilespmem:$0x1CC00] =	vst v63  }
0x23: {  	_ =	swait.ge [sflag:s10], $0x4000  }
0x24: {  	s18 =	simm.s32 $0x400;
	s17 =	simm.s32 $0x200;
	[sflag:s10] =	ssyncset.done $0x0  }
.LBB2_2:
0x25: {  	s19 =	sshra.s32 s17, $0x2  }
0x26: {  	[sflag:s10] =	ssyncadd.s32 $0xFFFFC000;
	s17 =	smov.u32 s18;
	s20 =	sadd.s32 $0x200, s18  }
0x27: {  	[tilespmem:s15], [sflag:$0x1] =	stream.indirect.gather [hbm4b:s4+s14], $0x80, s19, s14, $0xb8;
	[tilespmem:$0x1CC00] =	vst v63  }
0x28: {  	p0 =	sne.s32 s18, $0x9C00;
	_ =	swait.ge [sflag:s10], $0x4000  }
.Ltmp0:
0x29: {  	[sflag:s10] =	ssyncset.done $0x0;
	(pc) =	sbr.rel @p0 .LBB2_2-.Ltmp0, $4  }
0x2a: {  	s18 =	sadd.s32 $0x2800, s19;
	[sflag:s10] =	ssyncadd.s32 $0xFFFFC000  }
0x2b: {  	[spmem:s2] =	stream.indirect.scatter.add.f32 [tilespmem:s15], [sflag:$0x1], $0x80, s18, s14, $0xb8;
	[tilespmem:$0x1CC00] =	vst v63  }
0x2c: {  	_ =	swait.ge [sflag:s10], $0x4000  }
0x2d: {  	s18 =	smov.u32 s20;
	[sflag:s10] =	ssyncset.done $0x0  }
0x2e: {  	s17 =	sshra.s32 s17, $0x2;
	[sflag:s10] =	ssyncadd.s32 $0xFFFFC000  }
0x2f: {  	[tilespmem:s15], [sflag:$0x1] =	stream.indirect.gather [hbm4b:s4+s14], $0x80, s17, s14, $0xb8;
	[tilespmem:$0x1CC00] =	vst v63  }
0x30: {  	_ =	swait.ge [sflag:s10], $0x4000  }
0x31: {  	[sflag:s10] =	ssyncset.done $0x0  }
0x32: {  	s17 =	sadd.s32 $0x2800, s17;
	[sflag:s10] =	ssyncadd.s32 $0xFFFFC000  }
0x33: {  	[spmem:s2] =	stream.indirect.scatter.add.f32 [tilespmem:s15], [sflag:$0x1], $0x80, s17, s14, $0xb8;
	[tilespmem:$0x1CC00] =	vst v63  }
0x34: {  	_ =	swait.ge [sflag:s10], $0x4000  }
0x35: {  	s16 =	sadd.s32 $0x1, s16;
	[sflag:s10] =	ssyncset.done $0x0  }
0x36: {  	p0 =	sne.s32 s16, s9;
	[sflag:s10] =	ssyncadd.s32 $0xFFFFC000  }
.Ltmp1:
0x37: {  	[bflag:$0x0] =	sbarrier.arrive $0xFFFF;
	(pc) =	sbr.rel @p0 .LBB2_1-.Ltmp1, $4  }
0x38: {  	[hbm:s8], [sflag:s12] =	dma.local [spmem:s13], $0x2780  }
0x39: {  	_ =	swait.ge [sflag:s10], $0x2780  }
0x3a: {  	[sflag:s10] =	ssyncset.done $0x0  }
0x3b: {  	[sflag:s10] =	ssyncadd.s32 $0xFFFFD880  }
0x3c: {  	_ =	sfence.sel $0x180000  }
0x3d: {  	[bflag:$0x0] =	sbarrier.arrive $0xFFFF  }
0x3e: {  	p0 =	sne.s32 s0, $0x0;
	_ =	strace $0x9000004A  }
0x3f: {  	s0 =	sadd.s32 @!p0 $0x100000, s1;
	[bflag:$0x2] =	sbarrier.arrive $0xFFFF  }
0x40: {  	[sflag:s0] =	ssyncadd.tile.s32 @!p0 $0x1;
	_ =	shalt  }
.Lfunc_end2:
_tile_overlayer_lowered:
.L_overlay_start_2:
0x41: {  	(tag) =	ssettag $0x2  }
0x42: {  	s0 =	rddreg [dreg:$0x0];
	s2 =	stileid.u32  }
0x43: {  	s1 =	rddreg [dreg:$0x1];
	p0 =	sne.s32 s2, $0x0  }
0x44: {  	s3 =	rddreg [dreg:$0x2];
	[bflag:$0x3] =	sbarrier.arrive $0xFFFF;
	s2 =	simm.s32 @!p0 $0x1C01  }
0x45: {  	[timem:s3], [sflag:s2] =	dma.local @!p0 [hbm:s0], s1  }
0x46: {  	s0 =	simm.s32 @!p0 $0x1  }
0x47: {  	_ =	swait.ge @!p0 [sflag:s0], s1  }
0x48: {  	s1 =	ssub.s32 @!p0 $0x0, s1;
	[sflag:s0] =	ssyncset.done @!p0 $0x0  }
0x49: {  	[sflag:s0] =	ssyncadd.s32 @!p0 s1  }
0x4a: {  	[bflag:$0x3] =	sbarrier.arrive $0xFFFF  }
0x4b: {  	_ =	shalt  }

// kernel: kernel.16.cloned.1.call-start
scs
__scs_entry_jumppad:
0x0: {  	(pc) =	sbr.rel $0x88, $3  }
0x1: {  	(tag) =	ssettag $0x0;
	lr =	simm.s32 $0x1  }
0x2: {  	[smem:$0x3F99] =	sst lr;
	_ =	strace $0xD0000000  }
0x3: {  	_ = 	snop  }
0x4: {  	_ = 	snop  }
0x5: {  	_ = 	snop  }
0x6: {  	_ = 	snop  }
0x7: {  	_ = 	snop  }
__scs_overlays_trampoline_lowered:
0x8: {  	[smem:$0x3FA8] =	sst s0  }
0x9: {  	[smem:$0x3FA9] =	sst s1  }
0xa: {  	[smem:$0x3FAA] =	sst s2  }
0xb: {  	[smem:$0x3FAB] =	sst s3  }
0xc: {  	[smem:$0x3FAC] =	sst s4  }
0xd: {  	[smem:$0x3FAD] =	sst s5  }
0xe: {  	[smem:$0x3FAE] =	sst s6  }
0xf: {  	[smem:$0x3FAF] =	sst s7  }
0x10: {  	[smem:$0x3FB0] =	sst s8  }
0x11: {  	[smem:$0x3FB1] =	sst s9;
	s0 =	simm.s32 @!p0 $0x0  }
0x12: {  	s1 =	sld [smem:$0x3F97];
	s0 =	simm.s32 @p0 $0x1  }
0x13: {  	[smem:$0x3FB2] =	sst s0;
	s0 =	simm.s32 @!p1 $0x0  }
0x14: {  	s2 =	sld [smem:$0x3F96];
	s0 =	simm.s32 @p1 $0x1  }
0x15: {  	[smem:$0x3FB3] =	sst s0;
	s0 =	simm.s32 @!p2 $0x0  }
0x16: {  	s3 =	sld [smem:$0x3FDB];
	s0 =	simm.s32 @p2 $0x1  }
0x17: {  	s4 =	simm.s32 $0x1BF5;
	[smem:$0x3FB5] =	sst s0  }
0x18: {  	s0 =	sld [smem:$0x3F98];
	_ =	swait.ge [sflag:s4], $0x0  }
0x19: {  	s7 =	sld [smem:$0x3F99]  }
0x1a: {  	s8 =	sadd.s32 $0xFFFFE003, lr  }
0x1b: {  	s9 =	sadd.s32 $0xFFFFFEF7, lr;
	s5 =	simm.s32 $0xFFFFFFFF;
	p2 =	slt.u32 s8, $0xFFFFF086  }
0x1c: {  	p1 =	slt.u32 s9, $0xF7A;
	s5 =	simm.s32 @!p2 $0x0  }
0x1d: {  	s5 =	simm.s32 @p1 $0x1;
	p0 =	seq.s32 s7, s2  }
0x1e: {  	s7 =	smul.u32 @!p0 $0xF7A, s2;
	p2 =	seq.s32 @!p0 s5, $0x0  }
0x1f: {  	s9 =	smul.u32 $0xF7A, s1;
	s8 =	simm.s32 @!p0 $0x1BF5;
	p2 =	por !p2, p0  }
0x20: {  	[sflag:s8] =	ssyncset.s32 @!p0 $0xFFFFF086;
	s6 =	sadd.s32 @!p0 s3, s7;
	s7 =	simm.s32 @!p0 $0x108  }
0x21: {  	s3 =	sadd.s32 s3, s9;
	s6 =	sadd.s32 @!p0 $0x88, s6;
	s7 =	simm.s32 @p2 $0x1082  }
0x22: {  	[simem:s7], [sflag:s8] =	dma.local @!p0 [hbm:s6], $0xF7A  }
0x23: {  	s9 =	sor.u32 $0xD0000000, s2;
	s6 =	simm.s32 $0x108;
	_ =	swait.ge @!p0 [sflag:s8], $0x0  }
0x24: {  	s3 =	sadd.s32 $0x88, s3;
	s6 =	simm.s32 @!p1 $0x1082;
	[sflag:s4] =	ssyncset.s32 $0xFFFFF086  }
0x25: {  	[simem:s6], [sflag:s4] =	dma.local [hbm:s3], $0xF7A  }
0x26: {  	[smem:$0x3F99] =	sst s1;
	(tag) =	ssettag s2;
	_ =	strace s9  }
0x27: {  	s1 =	sld [smem:$0x3FA9]  }
0x28: {  	s2 =	sld [smem:$0x3FAA]  }
0x29: {  	s4 =	sld [smem:$0x3FAC]  }
0x2a: {  	p0 =	seq.s32 s5, $0x0;
	s5 =	sld [smem:$0x3FAD]  }
0x2b: {  	s6 =	sld [smem:$0x3FAE]  }
0x2c: {  	s7 =	sld [smem:$0x3FAF]  }
0x2d: {  	s3 =	simm.s32 $0x108;
	s8 =	sld [smem:$0x3FB0]  }
0x2e: {  	s3 =	simm.s32 @!p0 $0x1082;
	s9 =	sld [smem:$0x3FB1]  }
0x2f: {  	lr =	sadd.s32 s0, s3;
	s0 =	sld [smem:$0x3FA8]  }
0x30: {  	s3 =	sld [smem:$0x3FAB]  }
0x31: {  	[smem:$0x3FB4] =	sst s10  }
0x32: {  	s10 =	sld [smem:$0x3FB2];
	_ =	sdelay $0x3  }
0x33: {  	p0 =	seq.s32 s10, $0x1;
	s10 =	sld [smem:$0x3FB4];
	_ =	sdelay $0x3  }
0x34: {  	[smem:$0x3FB4] =	sst s10  }
0x35: {  	s10 =	sld [smem:$0x3FB3];
	_ =	sdelay $0x3  }
0x36: {  	p1 =	seq.s32 s10, $0x1;
	s10 =	sld [smem:$0x3FB4];
	_ =	sdelay $0x3  }
0x37: {  	[smem:$0x3FB4] =	sst s10  }
0x38: {  	s10 =	sld [smem:$0x3FB5]  }
0x39: {  	_ = 	snop;
	(pc) =	sbr.ind lr, $3  }
0x3a: {  	_ = 	snop  }
0x3b: {  	_ = 	snop  }
0x3c: {  	p2 =	seq.s32 s10, $0x1;
	s10 =	sld [smem:$0x3FB4]  }
0x3d: {  	_ =	shalt  }
0x3e: {  	_ =	shalt  }
0x3f: {  	_ =	shalt  }
0x40: {  	_ =	shalt  }
0x41: {  	_ =	shalt  }
0x42: {  	_ =	shalt  }
0x43: {  	_ =	shalt  }
0x44: {  	_ =	shalt  }
0x45: {  	_ =	shalt  }
0x46: {  	_ =	shalt  }
0x47: {  	_ =	shalt  }
0x48: {  	_ =	shalt  }
0x49: {  	_ =	shalt  }
0x4a: {  	_ =	shalt  }
0x4b: {  	_ =	shalt  }
0x4c: {  	_ =	shalt  }
0x4d: {  	_ =	shalt  }
0x4e: {  	_ =	shalt  }
0x4f: {  	_ =	shalt  }
0x50: {  	_ =	shalt  }
0x51: {  	_ =	shalt  }
0x52: {  	_ =	shalt  }
0x53: {  	_ =	shalt  }
0x54: {  	_ =	shalt  }
0x55: {  	_ =	shalt  }
0x56: {  	_ =	shalt  }
0x57: {  	_ =	shalt  }
0x58: {  	_ =	shalt  }
0x59: {  	_ =	shalt  }
0x5a: {  	_ =	shalt  }
0x5b: {  	_ =	shalt  }
0x5c: {  	_ =	shalt  }
0x5d: {  	_ =	shalt  }
0x5e: {  	_ =	shalt  }
0x5f: {  	_ =	shalt  }
0x60: {  	_ =	shalt  }
0x61: {  	_ =	shalt  }
0x62: {  	_ =	shalt  }
0x63: {  	_ =	shalt  }
0x64: {  	_ =	shalt  }
0x65: {  	_ =	shalt  }
0x66: {  	_ =	shalt  }
0x67: {  	_ =	shalt  }
0x68: {  	_ =	shalt  }
0x69: {  	_ =	shalt  }
0x6a: {  	_ =	shalt  }
0x6b: {  	_ =	shalt  }
0x6c: {  	_ =	shalt  }
0x6d: {  	_ =	shalt  }
0x6e: {  	_ =	shalt  }
0x6f: {  	_ =	shalt  }
0x70: {  	_ =	shalt  }
0x71: {  	_ =	shalt  }
0x72: {  	_ =	shalt  }
0x73: {  	_ =	shalt  }
0x74: {  	_ =	shalt  }
0x75: {  	_ =	shalt  }
0x76: {  	_ =	shalt  }
0x77: {  	_ =	shalt  }
0x78: {  	_ =	shalt  }
0x79: {  	_ =	shalt  }
0x7a: {  	_ =	shalt  }
0x7b: {  	_ =	shalt  }
0x7c: {  	_ =	shalt  }
0x7d: {  	_ =	shalt  }
0x7e: {  	_ =	shalt  }
0x7f: {  	_ =	shalt  }
0x80: {  	_ =	shalt  }
0x81: {  	_ =	shalt  }
0x82: {  	_ =	shalt  }
0x83: {  	_ =	shalt  }
0x84: {  	_ =	shalt  }
0x85: {  	_ =	shalt  }
0x86: {  	_ =	shalt  }
0x87: {  	_ =	shalt  }
.Lfunc_end0:
.L_simem_size_0:
called_computation.2_lowered:
.L_overlay_start_0:
0x88: {  	s2 =	sld [smem:$0x3FD9]  }
0x89: {  	s3 =	sld [smem:$0x3FFE];
	_ =	sdelay $0x1  }
0x8a: {  	s1 =	srdreg.scid  }
0x8b: {  	s0 =	sand.u32 $0x1, s1  }
0x8c: {  	s17 =	sshll.u32 s0, $0xA;
	s2 =	sadd.s32 s3, s2  }
0x8d: {  	s2 =	sadd.s32 s2, s17  }
0x8e: {  	[smem:$0x3FC0] =	sst s2  }
0x8f: {  	_ = 	snop  }
0x90: {  	s2 =	sld [smem:$0x3FD0];
	(tm) =	ssettm $0x1  }
0x91: {  	s18 =	sld [smem:$0x3FFB];
	_ =	sdelay $0x3  }
0x92: {  	_ =	strace s18  }
0x93: {  	s3 =	sld [smem:$0x3FFC];
	_ =	sdelay $0x3  }
0x94: {  	_ =	strace s3  }
0x95: {  	s3 =	sld [smem:$0x3FFD];
	_ =	sdelay $0x3  }
0x96: {  	_ =	strace s3  }
0x97: {  	_ =	strace $0x8FFFFFFF  }
0x98: {  	s19 =	sld [smem:$0x3FDB];
	_ =	sdelay $0x1  }
0x99: {  	s4 =	simm.s32 $_scs_section_size  }
0x9a: {  	s5 =	simm.s32 $_size__tile_overlayer_lowered;
	s6 =	simm.s32 $_tile_overlayer_lowered  }
0x9b: {  	s22 =	simm.s32 $0x1BFF;
	s21 =	sshll.u32 s6, $0x1;
	s3 =	sadd.s32 s4, s19  }
0x9c: {  	s7 =	simm.s32 $0x0;
	s20 =	sshll.u32 s5, $0x1;
	s5 =	sadd.s32 s21, s3  }
0x9d: {  	[timem:s7], [sflag:s22] =	dma.local [hbm:s5], s20  }
0x9e: {  	_ =	swait.ge [sflag:s22], s20  }
0x9f: {  	s4 =	ssub.s32 $0x0, s20;
	[sflag:s22] =	ssyncset.done $0x0  }
0xa0: {  	[sflag:s22] =	ssyncadd.s32 s4;
	_ =	sdelay $0x1  }
0xa1: {  	s23 =	simm.s32 $0x1B8B  }
0xa2: {  	_ =	swait.ge [sflag:s23], $0x1  }
0xa3: {  	[sflag:s23] =	ssyncset.done $0x0  }
0xa4: {  	s25 =	simm.s32 $0x1B8E;
	s24 =	sld [smem:$0x3FFE];
	[sflag:s23] =	ssyncadd.s32 $0xFFFFFFFF  }
0xa5: {  	s26 =	simm.s32 $execute0_lowered;
	[smem:$0x3FD2] =	sst s25  }
0xa6: {  	s5 =	sshll.u32 s26, $0x1;
	_ =	strace $0x8000004C;
	[dreg:$0x1] =	wrdreg $0xFFFFFFFF  }
0xa7: {  	s28 =	simm.s32 $_size_execute0_lowered;
	s3 =	sadd.s32 s3, s5;
	[dreg:$0x0] =	wrdreg $0x0  }
0xa8: {  	s5 =	sshll.u32 s28, $0x1;
	[dreg:$0x2] =	wrdreg s3  }
0xa9: {  	[dreg:$0x3] =	wrdreg s5  }
0xaa: {  	[dreg:$0x4] =	wrdreg $0xC0  }
0xab: {  	_ =	task [dreg:s7], $0x5FFFF  }
0xac: {  	[dreg:$0x1] =	wrdreg $0xFFFFFFFF  }
0xad: {  	[dreg:$0x0] =	wrdreg $0x60  }
0xae: {  	[dreg:$0x2] =	wrdreg s2  }
0xaf: {  	[dreg:$0x3] =	wrdreg s24  }
0xb0: {  	[dreg:$0x4] =	wrdreg $0x90000  }
0xb1: {  	[dreg:$0x5] =	wrdreg $0x9  }
0xb2: {  	_ =	task.clear_ibuf [dreg:s7], $0x6FFFF;
	_ =	strace $0x9000004C  }
0xb3: {  	s29 =	simm.s32 $0x9;
	_ =	strace $0x8000004E  }
0xb4: {  	_ =	swait.ge [sflag:s29], $0x1  }
0xb5: {  	[sflag:s29] =	ssyncadd.s32 $0xFFFFFFFF  }
0xb6: {  	_ =	strace $0x9000004E  }
0xb7: {  	_ =	sfence  }
0xb8: {  	s30 =	sld [smem:$0x0];
	_ =	sdelay $0x2  }
0xb9: {  	s31 =	sshll.u32 s1, $0xD;
	s1 =	sshrl.u32 s1, $0x2  }
0xba: {  	s3 =	sand.u32 $0x4000, s31;
	s1 =	sadd.s32 s1, s30  }
0xbb: {  	s0 =	sor.u32 s3, s0;
	s1 =	sshll.u32 s1, $0x11  }
0xbc: {  	s0 =	sor.u32 s1, s0  }
0xbd: {  	s0 =	sadd.s32 $0x8F2B, s0  }
0xbe: {  	[sflag:s0] =	ssyncadd.remote.s32 $0x1  }
0xbf: {  	_ =	sfence.sel $0xFFFF  }
0xc0: {  	[dreg:$0x0] =	wrdreg $0xFFFFFFFF;
	(pc) =	sbr.abs _section_cstart, $3  }
0xc1: {  	[dreg:$0x1] =	wrdreg $0xFFFFFFFF  }
0xc2: {  	_ =	task.clear_ibuf [dreg:s7], $0x2FFFF;
	_ =	strace $0x9FFFFFFF  }
0xc3: {  	(tm) =	ssettm $0x7FFFFFFF  }
tec
execute0_lowered:
.L_overlay_start_1:
0x0: {  	(tag) =	ssettag $0x1  }
0x1: {  	s5 =	rddreg [dreg:$0x0]  }
0x2: {  	s6 =	rddreg [dreg:$0x1]  }
0x3: {  	s0 =	srdreg.scid;
	s2 =	rddreg [dreg:$0x2]  }
0x4: {  	s1 =	rddreg [dreg:$0x3];
	s7 =	sand.u32 $0x1, s0  }
0x5: {  	s3 =	simm.s32 $0x0;
	s0 =	stileid.u32;
	s4 =	smul.u32 $0x28000, s7  }
0x6: {  	s14 =	simm.s32 $0x80;
	s15 =	simm.s32 $0x5000;
	s8 =	smul.u32 $0x2800, s0  }
0x7: {  	s16 =	simm.s32 $0x0;
	[smem:$0x7FF] =	sst s3;
	s28 =	smul.u32 $0x13C00, s0  }
0x8: {  	s10 =	smul.u32 $0x13C000, s7;
	_ =	strace $0x8000004D;
	s7 =	ssub.s32 $0x2, s7  }
0x9: {  	s13 =	smul.u32 $0x4F000, s0;
	s31 =	sshll.u32 s0, $0x6;
	s29 =	sshrl.u32 s7, $0x1  }
0xa: {  	s4 =	sadd.s32 s8, s4;
	s12 =	sshrl.u32 s28, $0x3;
	s8 =	sadd.s32 s28, s10  }
0xb: {  	s10 =	ssub.s32 s7, s29;
	s30 =	sshrl.u32 s13, $0x2;
	s9 =	sshrl.u32 s4, $0x3  }
0xc: {  	s4 =	sadd.s32 $0x84000, s6;
	s8 =	sshrl.u32 s8, $0x3;
	s12 =	sadd.s32 s12, s6  }
0xd: {  	s13 =	sadd.s32 s30, s2;
	s11 =	sadd.s32 s9, s6;
	s8 =	sadd.s32 s8, s6  }
0xe: {  	s5 =	sadd.s32 s5, s9;
	s7 =	sadd.s32 $0xD000, s12;
	s9 =	smax.u32 s10, $0x1  }
0xf: {  	s10 =	simm.s32 $0x1;
	s12 =	sor.u32 $0x1C01, s31;
	s13 =	sshrl.u32 s13, $0x3  }
0x10: {  	s6 =	sadd.s32 $0x3000, s11;
	s8 =	sadd.s32 $0xAB200, s8;
	s11 =	simm.s32 $0x2800  }
.LBB2_1:
0x11: {  	[tilespmem:s3], [sflag:$0x1] =	stream.linear.gather [hbm4b:s5+s3], $0x2780, $0x38;
	[tilespmem:$0x1CC00] =	vst v63  }
0x12: {  	_ =	swait.ge [sflag:s10], $0x2780  }
0x13: {  	[sflag:s10] =	ssyncset.done $0x0  }
0x14: {  	[sflag:s10] =	ssyncadd.s32 $0xFFFFD880  }
0x15: {  	[tilespmem:s11], [sflag:$0x1] =	stream.linear.gather [hbm4b:s6+s3], $0x2780, $0x38;
	[tilespmem:$0x1CC00] =	vst v63  }
0x16: {  	_ =	swait.ge [sflag:s10], $0x2780  }
0x17: {  	[sflag:s10] =	ssyncset.done $0x0  }
0x18: {  	[sflag:s10] =	ssyncadd.s32 $0xFFFFD880  }
0x19: {  	[spmem:s13], [sflag:s12] =	dma.local [hbm:s7], $0x2780  }
0x1a: {  	_ =	swait.ge [sflag:s10], $0x2780  }
0x1b: {  	[sflag:s10] =	ssyncset.done $0x0  }
0x1c: {  	[sflag:s10] =	ssyncadd.s32 $0xFFFFD880  }
0x1d: {  	s17 =	simm.s32 $0x0;
	[bflag:$0x0] =	sbarrier.arrive $0xFFFF  }
0x1e: {  	[tilespmem:s15], [sflag:$0x1] =	stream.indirect.gather [hbm4b:s4+s14], $0x80, s17, s14, $0xb8;
	[tilespmem:$0x1CC00] =	vst v63  }
0x1f: {  	_ =	swait.ge [sflag:s10], $0x4000  }
0x20: {  	[sflag:s10] =	ssyncset.done $0x0  }
0x21: {  	s31 =	simm.s32 $0x2800;
	[sflag:s10] =	ssyncadd.s32 $0xFFFFC000  }
0x22: {  	[spmem:s2] =	stream.indirect.scatter.add.f32 [tilespmem:s15], [sflag:$0x1], $0x80, s31, s14, $0xb8;
	[tilespmem:$0x1CC00] =	vst v63  }
0x23: {  	_ =	swait.ge [sflag:s10], $0x4000  }
0x24: {  	s18 =	simm.s32 $0x400;
	s17 =	simm.s32 $0x200;
	[sflag:s10] =	ssyncset.done $0x0  }
.LBB2_2:
0x25: {  	s19 =	sshra.s32 s17, $0x2  }
0x26: {  	[sflag:s10] =	ssyncadd.s32 $0xFFFFC000;
	s17 =	smov.u32 s18;
	s20 =	sadd.s32 $0x200, s18  }
0x27: {  	[tilespmem:s15], [sflag:$0x1] =	stream.indirect.gather [hbm4b:s4+s14], $0x80, s19, s14, $0xb8;
	[tilespmem:$0x1CC00] =	vst v63  }
0x28: {  	p0 =	sne.s32 s18, $0x9C00;
	_ =	swait.ge [sflag:s10], $0x4000  }
.Ltmp0:
0x29: {  	[sflag:s10] =	ssyncset.done $0x0;
	(pc) =	sbr.rel @p0 .LBB2_2-.Ltmp0, $4  }
0x2a: {  	s18 =	sadd.s32 $0x2800, s19;
	[sflag:s10] =	ssyncadd.s32 $0xFFFFC000  }
0x2b: {  	[spmem:s2] =	stream.indirect.scatter.add.f32 [tilespmem:s15], [sflag:$0x1], $0x80, s18, s14, $0xb8;
	[tilespmem:$0x1CC00] =	vst v63  }
0x2c: {  	_ =	swait.ge [sflag:s10], $0x4000  }
0x2d: {  	s18 =	smov.u32 s20;
	[sflag:s10] =	ssyncset.done $0x0  }
0x2e: {  	s17 =	sshra.s32 s17, $0x2;
	[sflag:s10] =	ssyncadd.s32 $0xFFFFC000  }
0x2f: {  	[tilespmem:s15], [sflag:$0x1] =	stream.indirect.gather [hbm4b:s4+s14], $0x80, s17, s14, $0xb8;
	[tilespmem:$0x1CC00] =	vst v63  }
0x30: {  	_ =	swait.ge [sflag:s10], $0x4000  }
0x31: {  	[sflag:s10] =	ssyncset.done $0x0  }
0x32: {  	s17 =	sadd.s32 $0x2800, s17;
	[sflag:s10] =	ssyncadd.s32 $0xFFFFC000  }
0x33: {  	[spmem:s2] =	stream.indirect.scatter.add.f32 [tilespmem:s15], [sflag:$0x1], $0x80, s17, s14, $0xb8;
	[tilespmem:$0x1CC00] =	vst v63  }
0x34: {  	_ =	swait.ge [sflag:s10], $0x4000  }
0x35: {  	s16 =	sadd.s32 $0x1, s16;
	[sflag:s10] =	ssyncset.done $0x0  }
0x36: {  	p0 =	sne.s32 s16, s9;
	[sflag:s10] =	ssyncadd.s32 $0xFFFFC000  }
.Ltmp1:
0x37: {  	[bflag:$0x0] =	sbarrier.arrive $0xFFFF;
	(pc) =	sbr.rel @p0 .LBB2_1-.Ltmp1, $4  }
0x38: {  	[hbm:s8], [sflag:s12] =	dma.local [spmem:s13], $0x2780  }
0x39: {  	_ =	swait.ge [sflag:s10], $0x2780  }
0x3a: {  	[sflag:s10] =	ssyncset.done $0x0  }
0x3b: {  	[sflag:s10] =	ssyncadd.s32 $0xFFFFD880  }
0x3c: {  	_ =	sfence.sel $0x180000  }
0x3d: {  	[bflag:$0x0] =	sbarrier.arrive $0xFFFF  }
0x3e: {  	p0 =	sne.s32 s0, $0x0;
	_ =	strace $0x9000004D  }
0x3f: {  	s0 =	sadd.s32 @!p0 $0x100000, s1;
	[bflag:$0x2] =	sbarrier.arrive $0xFFFF  }
0x40: {  	[sflag:s0] =	ssyncadd.tile.s32 @!p0 $0x1;
	_ =	shalt  }
.Lfunc_end2:
_tile_overlayer_lowered:
.L_overlay_start_2:
0x41: {  	(tag) =	ssettag $0x2  }
0x42: {  	s0 =	rddreg [dreg:$0x0];
	s2 =	stileid.u32  }
0x43: {  	s1 =	rddreg [dreg:$0x1];
	p0 =	sne.s32 s2, $0x0  }
0x44: {  	s3 =	rddreg [dreg:$0x2];
	[bflag:$0x3] =	sbarrier.arrive $0xFFFF;
	s2 =	simm.s32 @!p0 $0x1C01  }
0x45: {  	[timem:s3], [sflag:s2] =	dma.local @!p0 [hbm:s0], s1  }
0x46: {  	s0 =	simm.s32 @!p0 $0x1  }
0x47: {  	_ =	swait.ge @!p0 [sflag:s0], s1  }
0x48: {  	s1 =	ssub.s32 @!p0 $0x0, s1;
	[sflag:s0] =	ssyncset.done @!p0 $0x0  }
0x49: {  	[sflag:s0] =	ssyncadd.s32 @!p0 s1  }
0x4a: {  	[bflag:$0x3] =	sbarrier.arrive $0xFFFF  }
0x4b: {  	_ =	shalt  }

// kernel: kernel.19.cloned.1.call-start
scs
__scs_entry_jumppad:
0x0: {  	(pc) =	sbr.rel $0x88, $3  }
0x1: {  	(tag) =	ssettag $0x0;
	lr =	simm.s32 $0x1  }
0x2: {  	[smem:$0x3F99] =	sst lr;
	_ =	strace $0xD0000000  }
0x3: {  	_ = 	snop  }
0x4: {  	_ = 	snop  }
0x5: {  	_ = 	snop  }
0x6: {  	_ = 	snop  }
0x7: {  	_ = 	snop  }
__scs_overlays_trampoline_lowered:
0x8: {  	[smem:$0x3FA8] =	sst s0  }
0x9: {  	[smem:$0x3FA9] =	sst s1  }
0xa: {  	[smem:$0x3FAA] =	sst s2  }
0xb: {  	[smem:$0x3FAB] =	sst s3  }
0xc: {  	[smem:$0x3FAC] =	sst s4  }
0xd: {  	[smem:$0x3FAD] =	sst s5  }
0xe: {  	[smem:$0x3FAE] =	sst s6  }
0xf: {  	[smem:$0x3FAF] =	sst s7  }
0x10: {  	[smem:$0x3FB0] =	sst s8  }
0x11: {  	[smem:$0x3FB1] =	sst s9;
	s0 =	simm.s32 @!p0 $0x0  }
0x12: {  	s1 =	sld [smem:$0x3F97];
	s0 =	simm.s32 @p0 $0x1  }
0x13: {  	[smem:$0x3FB2] =	sst s0;
	s0 =	simm.s32 @!p1 $0x0  }
0x14: {  	s2 =	sld [smem:$0x3F96];
	s0 =	simm.s32 @p1 $0x1  }
0x15: {  	[smem:$0x3FB3] =	sst s0;
	s0 =	simm.s32 @!p2 $0x0  }
0x16: {  	s3 =	sld [smem:$0x3FDB];
	s0 =	simm.s32 @p2 $0x1  }
0x17: {  	s4 =	simm.s32 $0x1BF5;
	[smem:$0x3FB5] =	sst s0  }
0x18: {  	s0 =	sld [smem:$0x3F98];
	_ =	swait.ge [sflag:s4], $0x0  }
0x19: {  	s7 =	sld [smem:$0x3F99]  }
0x1a: {  	s8 =	sadd.s32 $0xFFFFE003, lr  }
0x1b: {  	s9 =	sadd.s32 $0xFFFFFEF7, lr;
	s5 =	simm.s32 $0xFFFFFFFF;
	p2 =	slt.u32 s8, $0xFFFFF086  }
0x1c: {  	p1 =	slt.u32 s9, $0xF7A;
	s5 =	simm.s32 @!p2 $0x0  }
0x1d: {  	s5 =	simm.s32 @p1 $0x1;
	p0 =	seq.s32 s7, s2  }
0x1e: {  	s7 =	smul.u32 @!p0 $0xF7A, s2;
	p2 =	seq.s32 @!p0 s5, $0x0  }
0x1f: {  	s9 =	smul.u32 $0xF7A, s1;
	s8 =	simm.s32 @!p0 $0x1BF5;
	p2 =	por !p2, p0  }
0x20: {  	[sflag:s8] =	ssyncset.s32 @!p0 $0xFFFFF086;
	s6 =	sadd.s32 @!p0 s3, s7;
	s7 =	simm.s32 @!p0 $0x108  }
0x21: {  	s3 =	sadd.s32 s3, s9;
	s6 =	sadd.s32 @!p0 $0x88, s6;
	s7 =	simm.s32 @p2 $0x1082  }
0x22: {  	[simem:s7], [sflag:s8] =	dma.local @!p0 [hbm:s6], $0xF7A  }
0x23: {  	s9 =	sor.u32 $0xD0000000, s2;
	s6 =	simm.s32 $0x108;
	_ =	swait.ge @!p0 [sflag:s8], $0x0  }
0x24: {  	s3 =	sadd.s32 $0x88, s3;
	s6 =	simm.s32 @!p1 $0x1082;
	[sflag:s4] =	ssyncset.s32 $0xFFFFF086  }
0x25: {  	[simem:s6], [sflag:s4] =	dma.local [hbm:s3], $0xF7A  }
0x26: {  	[smem:$0x3F99] =	sst s1;
	(tag) =	ssettag s2;
	_ =	strace s9  }
0x27: {  	s1 =	sld [smem:$0x3FA9]  }
0x28: {  	s2 =	sld [smem:$0x3FAA]  }
0x29: {  	s4 =	sld [smem:$0x3FAC]  }
0x2a: {  	p0 =	seq.s32 s5, $0x0;
	s5 =	sld [smem:$0x3FAD]  }
0x2b: {  	s6 =	sld [smem:$0x3FAE]  }
0x2c: {  	s7 =	sld [smem:$0x3FAF]  }
0x2d: {  	s3 =	simm.s32 $0x108;
	s8 =	sld [smem:$0x3FB0]  }
0x2e: {  	s3 =	simm.s32 @!p0 $0x1082;
	s9 =	sld [smem:$0x3FB1]  }
0x2f: {  	lr =	sadd.s32 s0, s3;
	s0 =	sld [smem:$0x3FA8]  }
0x30: {  	s3 =	sld [smem:$0x3FAB]  }
0x31: {  	[smem:$0x3FB4] =	sst s10  }
0x32: {  	s10 =	sld [smem:$0x3FB2];
	_ =	sdelay $0x3  }
0x33: {  	p0 =	seq.s32 s10, $0x1;
	s10 =	sld [smem:$0x3FB4];
	_ =	sdelay $0x3  }
0x34: {  	[smem:$0x3FB4] =	sst s10  }
0x35: {  	s10 =	sld [smem:$0x3FB3];
	_ =	sdelay $0x3  }
0x36: {  	p1 =	seq.s32 s10, $0x1;
	s10 =	sld [smem:$0x3FB4];
	_ =	sdelay $0x3  }
0x37: {  	[smem:$0x3FB4] =	sst s10  }
0x38: {  	s10 =	sld [smem:$0x3FB5]  }
0x39: {  	_ = 	snop;
	(pc) =	sbr.ind lr, $3  }
0x3a: {  	_ = 	snop  }
0x3b: {  	_ = 	snop  }
0x3c: {  	p2 =	seq.s32 s10, $0x1;
	s10 =	sld [smem:$0x3FB4]  }
0x3d: {  	_ =	shalt  }
0x3e: {  	_ =	shalt  }
0x3f: {  	_ =	shalt  }
0x40: {  	_ =	shalt  }
0x41: {  	_ =	shalt  }
0x42: {  	_ =	shalt  }
0x43: {  	_ =	shalt  }
0x44: {  	_ =	shalt  }
0x45: {  	_ =	shalt  }
0x46: {  	_ =	shalt  }
0x47: {  	_ =	shalt  }
0x48: {  	_ =	shalt  }
0x49: {  	_ =	shalt  }
0x4a: {  	_ =	shalt  }
0x4b: {  	_ =	shalt  }
0x4c: {  	_ =	shalt  }
0x4d: {  	_ =	shalt  }
0x4e: {  	_ =	shalt  }
0x4f: {  	_ =	shalt  }
0x50: {  	_ =	shalt  }
0x51: {  	_ =	shalt  }
0x52: {  	_ =	shalt  }
0x53: {  	_ =	shalt  }
0x54: {  	_ =	shalt  }
0x55: {  	_ =	shalt  }
0x56: {  	_ =	shalt  }
0x57: {  	_ =	shalt  }
0x58: {  	_ =	shalt  }
0x59: {  	_ =	shalt  }
0x5a: {  	_ =	shalt  }
0x5b: {  	_ =	shalt  }
0x5c: {  	_ =	shalt  }
0x5d: {  	_ =	shalt  }
0x5e: {  	_ =	shalt  }
0x5f: {  	_ =	shalt  }
0x60: {  	_ =	shalt  }
0x61: {  	_ =	shalt  }
0x62: {  	_ =	shalt  }
0x63: {  	_ =	shalt  }
0x64: {  	_ =	shalt  }
0x65: {  	_ =	shalt  }
0x66: {  	_ =	shalt  }
0x67: {  	_ =	shalt  }
0x68: {  	_ =	shalt  }
0x69: {  	_ =	shalt  }
0x6a: {  	_ =	shalt  }
0x6b: {  	_ =	shalt  }
0x6c: {  	_ =	shalt  }
0x6d: {  	_ =	shalt  }
0x6e: {  	_ =	shalt  }
0x6f: {  	_ =	shalt  }
0x70: {  	_ =	shalt  }
0x71: {  	_ =	shalt  }
0x72: {  	_ =	shalt  }
0x73: {  	_ =	shalt  }
0x74: {  	_ =	shalt  }
0x75: {  	_ =	shalt  }
0x76: {  	_ =	shalt  }
0x77: {  	_ =	shalt  }
0x78: {  	_ =	shalt  }
0x79: {  	_ =	shalt  }
0x7a: {  	_ =	shalt  }
0x7b: {  	_ =	shalt  }
0x7c: {  	_ =	shalt  }
0x7d: {  	_ =	shalt  }
0x7e: {  	_ =	shalt  }
0x7f: {  	_ =	shalt  }
0x80: {  	_ =	shalt  }
0x81: {  	_ =	shalt  }
0x82: {  	_ =	shalt  }
0x83: {  	_ =	shalt  }
0x84: {  	_ =	shalt  }
0x85: {  	_ =	shalt  }
0x86: {  	_ =	shalt  }
0x87: {  	_ =	shalt  }
.Lfunc_end0:
.L_simem_size_0:
called_computation.3_lowered:
.L_overlay_start_0:
0x88: {  	s2 =	sld [smem:$0x3FD9]  }
0x89: {  	s3 =	sld [smem:$0x3FFE];
	_ =	sdelay $0x1  }
0x8a: {  	s1 =	srdreg.scid  }
0x8b: {  	s0 =	sand.u32 $0x1, s1  }
0x8c: {  	s17 =	sshll.u32 s0, $0xA;
	s2 =	sadd.s32 s3, s2  }
0x8d: {  	s2 =	sadd.s32 s2, s17  }
0x8e: {  	[smem:$0x3FC0] =	sst s2  }
0x8f: {  	_ = 	snop  }
0x90: {  	s2 =	sld [smem:$0x3FD0];
	(tm) =	ssettm $0x1  }
0x91: {  	s18 =	sld [smem:$0x3FFB];
	_ =	sdelay $0x3  }
0x92: {  	_ =	strace s18  }
0x93: {  	s3 =	sld [smem:$0x3FFC];
	_ =	sdelay $0x3  }
0x94: {  	_ =	strace s3  }
0x95: {  	s3 =	sld [smem:$0x3FFD];
	_ =	sdelay $0x3  }
0x96: {  	_ =	strace s3  }
0x97: {  	_ =	strace $0x8FFFFFFF  }
0x98: {  	s19 =	sld [smem:$0x3FDB];
	_ =	sdelay $0x1  }
0x99: {  	s4 =	simm.s32 $_scs_section_size  }
0x9a: {  	s5 =	simm.s32 $_size__tile_overlayer_lowered;
	s6 =	simm.s32 $_tile_overlayer_lowered  }
0x9b: {  	s22 =	simm.s32 $0x1BFF;
	s21 =	sshll.u32 s6, $0x1;
	s3 =	sadd.s32 s4, s19  }
0x9c: {  	s7 =	simm.s32 $0x0;
	s20 =	sshll.u32 s5, $0x1;
	s5 =	sadd.s32 s21, s3  }
0x9d: {  	[timem:s7], [sflag:s22] =	dma.local [hbm:s5], s20  }
0x9e: {  	_ =	swait.ge [sflag:s22], s20  }
0x9f: {  	s4 =	ssub.s32 $0x0, s20;
	[sflag:s22] =	ssyncset.done $0x0  }
0xa0: {  	[sflag:s22] =	ssyncadd.s32 s4;
	_ =	sdelay $0x1  }
0xa1: {  	s23 =	simm.s32 $0x1B8B  }
0xa2: {  	_ =	swait.ge [sflag:s23], $0x1  }
0xa3: {  	[sflag:s23] =	ssyncset.done $0x0  }
0xa4: {  	s25 =	simm.s32 $0x1B8E;
	s24 =	sld [smem:$0x3FFE];
	[sflag:s23] =	ssyncadd.s32 $0xFFFFFFFF  }
0xa5: {  	s26 =	simm.s32 $execute0_lowered;
	[smem:$0x3FD2] =	sst s25  }
0xa6: {  	s5 =	sshll.u32 s26, $0x1;
	_ =	strace $0x8000004F;
	[dreg:$0x1] =	wrdreg $0xFFFFFFFF  }
0xa7: {  	s28 =	simm.s32 $_size_execute0_lowered;
	s3 =	sadd.s32 s3, s5;
	[dreg:$0x0] =	wrdreg $0x0  }
0xa8: {  	s5 =	sshll.u32 s28, $0x1;
	[dreg:$0x2] =	wrdreg s3  }
0xa9: {  	[dreg:$0x3] =	wrdreg s5  }
0xaa: {  	[dreg:$0x4] =	wrdreg $0xC0  }
0xab: {  	_ =	task [dreg:s7], $0x5FFFF  }
0xac: {  	[dreg:$0x1] =	wrdreg $0xFFFFFFFF  }
0xad: {  	[dreg:$0x0] =	wrdreg $0x60  }
0xae: {  	[dreg:$0x2] =	wrdreg s2  }
0xaf: {  	[dreg:$0x3] =	wrdreg s24  }
0xb0: {  	[dreg:$0x4] =	wrdreg $0x90000  }
0xb1: {  	[dreg:$0x5] =	wrdreg $0x9  }
0xb2: {  	_ =	task.clear_ibuf [dreg:s7], $0x6FFFF;
	_ =	strace $0x9000004F  }
0xb3: {  	s29 =	simm.s32 $0x9;
	_ =	strace $0x80000051  }
0xb4: {  	_ =	swait.ge [sflag:s29], $0x1  }
0xb5: {  	[sflag:s29] =	ssyncadd.s32 $0xFFFFFFFF  }
0xb6: {  	_ =	strace $0x90000051  }
0xb7: {  	_ =	sfence  }
0xb8: {  	s30 =	sld [smem:$0x0];
	_ =	sdelay $0x2  }
0xb9: {  	s31 =	sshll.u32 s1, $0xD;
	s1 =	sshrl.u32 s1, $0x2  }
0xba: {  	s3 =	sand.u32 $0x4000, s31;
	s1 =	sadd.s32 s1, s30  }
0xbb: {  	s0 =	sor.u32 s3, s0;
	s1 =	sshll.u32 s1, $0x11  }
0xbc: {  	s0 =	sor.u32 s1, s0  }
0xbd: {  	s0 =	sadd.s32 $0x8F2B, s0  }
0xbe: {  	[sflag:s0] =	ssyncadd.remote.s32 $0x1  }
0xbf: {  	_ =	sfence.sel $0xFFFF  }
0xc0: {  	[dreg:$0x0] =	wrdreg $0xFFFFFFFF;
	(pc) =	sbr.abs _section_cstart, $3  }
0xc1: {  	[dreg:$0x1] =	wrdreg $0xFFFFFFFF  }
0xc2: {  	_ =	task.clear_ibuf [dreg:s7], $0x2FFFF;
	_ =	strace $0x9FFFFFFF  }
0xc3: {  	(tm) =	ssettm $0x7FFFFFFF  }
tec
execute0_lowered:
.L_overlay_start_1:
0x0: {  	(tag) =	ssettag $0x1  }
0x1: {  	s5 =	rddreg [dreg:$0x0]  }
0x2: {  	s6 =	rddreg [dreg:$0x1]  }
0x3: {  	s0 =	srdreg.scid;
	s2 =	rddreg [dreg:$0x2]  }
0x4: {  	s1 =	rddreg [dreg:$0x3];
	s7 =	sand.u32 $0x1, s0  }
0x5: {  	s3 =	simm.s32 $0x0;
	s0 =	stileid.u32;
	s4 =	smul.u32 $0x28000, s7  }
0x6: {  	s14 =	simm.s32 $0x80;
	s15 =	simm.s32 $0x5000;
	s8 =	smul.u32 $0x2800, s0  }
0x7: {  	s16 =	simm.s32 $0x0;
	[smem:$0x7FF] =	sst s3;
	s28 =	smul.u32 $0x13C00, s0  }
0x8: {  	s10 =	smul.u32 $0x13C000, s7;
	_ =	strace $0x80000050;
	s7 =	ssub.s32 $0x2, s7  }
0x9: {  	s13 =	smul.u32 $0x4F000, s0;
	s31 =	sshll.u32 s0, $0x6;
	s29 =	sshrl.u32 s7, $0x1  }
0xa: {  	s4 =	sadd.s32 s8, s4;
	s12 =	sshrl.u32 s28, $0x3;
	s8 =	sadd.s32 s28, s10  }
0xb: {  	s10 =	ssub.s32 s7, s29;
	s30 =	sshrl.u32 s13, $0x2;
	s9 =	sshrl.u32 s4, $0x3  }
0xc: {  	s4 =	sadd.s32 $0x84000, s6;
	s8 =	sshrl.u32 s8, $0x3;
	s12 =	sadd.s32 s12, s6  }
0xd: {  	s13 =	sadd.s32 s30, s2;
	s11 =	sadd.s32 s9, s6;
	s8 =	sadd.s32 s8, s6  }
0xe: {  	s5 =	sadd.s32 s5, s9;
	s7 =	sadd.s32 $0xD000, s12;
	s9 =	smax.u32 s10, $0x1  }
0xf: {  	s10 =	simm.s32 $0x1;
	s12 =	sor.u32 $0x1C01, s31;
	s13 =	sshrl.u32 s13, $0x3  }
0x10: {  	s6 =	sadd.s32 $0x3000, s11;
	s8 =	sadd.s32 $0xAB200, s8;
	s11 =	simm.s32 $0x2800  }
.LBB2_1:
0x11: {  	[tilespmem:s3], [sflag:$0x1] =	stream.linear.gather [hbm4b:s5+s3], $0x2780, $0x38;
	[tilespmem:$0x1CC00] =	vst v63  }
0x12: {  	_ =	swait.ge [sflag:s10], $0x2780  }
0x13: {  	[sflag:s10] =	ssyncset.done $0x0  }
0x14: {  	[sflag:s10] =	ssyncadd.s32 $0xFFFFD880  }
0x15: {  	[tilespmem:s11], [sflag:$0x1] =	stream.linear.gather [hbm4b:s6+s3], $0x2780, $0x38;
	[tilespmem:$0x1CC00] =	vst v63  }
0x16: {  	_ =	swait.ge [sflag:s10], $0x2780  }
0x17: {  	[sflag:s10] =	ssyncset.done $0x0  }
0x18: {  	[sflag:s10] =	ssyncadd.s32 $0xFFFFD880  }
0x19: {  	[spmem:s13], [sflag:s12] =	dma.local [hbm:s7], $0x2780  }
0x1a: {  	_ =	swait.ge [sflag:s10], $0x2780  }
0x1b: {  	[sflag:s10] =	ssyncset.done $0x0  }
0x1c: {  	[sflag:s10] =	ssyncadd.s32 $0xFFFFD880  }
0x1d: {  	s17 =	simm.s32 $0x0;
	[bflag:$0x0] =	sbarrier.arrive $0xFFFF  }
0x1e: {  	[tilespmem:s15], [sflag:$0x1] =	stream.indirect.gather [hbm4b:s4+s14], $0x80, s17, s14, $0xb8;
	[tilespmem:$0x1CC00] =	vst v63  }
0x1f: {  	_ =	swait.ge [sflag:s10], $0x4000  }
0x20: {  	[sflag:s10] =	ssyncset.done $0x0  }
0x21: {  	s31 =	simm.s32 $0x2800;
	[sflag:s10] =	ssyncadd.s32 $0xFFFFC000  }
0x22: {  	[spmem:s2] =	stream.indirect.scatter.add.f32 [tilespmem:s15], [sflag:$0x1], $0x80, s31, s14, $0xb8;
	[tilespmem:$0x1CC00] =	vst v63  }
0x23: {  	_ =	swait.ge [sflag:s10], $0x4000  }
0x24: {  	s18 =	simm.s32 $0x400;
	s17 =	simm.s32 $0x200;
	[sflag:s10] =	ssyncset.done $0x0  }
.LBB2_2:
0x25: {  	s19 =	sshra.s32 s17, $0x2  }
0x26: {  	[sflag:s10] =	ssyncadd.s32 $0xFFFFC000;
	s17 =	smov.u32 s18;
	s20 =	sadd.s32 $0x200, s18  }
0x27: {  	[tilespmem:s15], [sflag:$0x1] =	stream.indirect.gather [hbm4b:s4+s14], $0x80, s19, s14, $0xb8;
	[tilespmem:$0x1CC00] =	vst v63  }
0x28: {  	p0 =	sne.s32 s18, $0x9C00;
	_ =	swait.ge [sflag:s10], $0x4000  }
.Ltmp0:
0x29: {  	[sflag:s10] =	ssyncset.done $0x0;
	(pc) =	sbr.rel @p0 .LBB2_2-.Ltmp0, $4  }
0x2a: {  	s18 =	sadd.s32 $0x2800, s19;
	[sflag:s10] =	ssyncadd.s32 $0xFFFFC000  }
0x2b: {  	[spmem:s2] =	stream.indirect.scatter.add.f32 [tilespmem:s15], [sflag:$0x1], $0x80, s18, s14, $0xb8;
	[tilespmem:$0x1CC00] =	vst v63  }
0x2c: {  	_ =	swait.ge [sflag:s10], $0x4000  }
0x2d: {  	s18 =	smov.u32 s20;
	[sflag:s10] =	ssyncset.done $0x0  }
0x2e: {  	s17 =	sshra.s32 s17, $0x2;
	[sflag:s10] =	ssyncadd.s32 $0xFFFFC000  }
0x2f: {  	[tilespmem:s15], [sflag:$0x1] =	stream.indirect.gather [hbm4b:s4+s14], $0x80, s17, s14, $0xb8;
	[tilespmem:$0x1CC00] =	vst v63  }
0x30: {  	_ =	swait.ge [sflag:s10], $0x4000  }
0x31: {  	[sflag:s10] =	ssyncset.done $0x0  }
0x32: {  	s17 =	sadd.s32 $0x2800, s17;
	[sflag:s10] =	ssyncadd.s32 $0xFFFFC000  }
0x33: {  	[spmem:s2] =	stream.indirect.scatter.add.f32 [tilespmem:s15], [sflag:$0x1], $0x80, s17, s14, $0xb8;
	[tilespmem:$0x1CC00] =	vst v63  }
0x34: {  	_ =	swait.ge [sflag:s10], $0x4000  }
0x35: {  	s16 =	sadd.s32 $0x1, s16;
	[sflag:s10] =	ssyncset.done $0x0  }
0x36: {  	p0 =	sne.s32 s16, s9;
	[sflag:s10] =	ssyncadd.s32 $0xFFFFC000  }
.Ltmp1:
0x37: {  	[bflag:$0x0] =	sbarrier.arrive $0xFFFF;
	(pc) =	sbr.rel @p0 .LBB2_1-.Ltmp1, $4  }
0x38: {  	[hbm:s8], [sflag:s12] =	dma.local [spmem:s13], $0x2780  }
0x39: {  	_ =	swait.ge [sflag:s10], $0x2780  }
0x3a: {  	[sflag:s10] =	ssyncset.done $0x0  }
0x3b: {  	[sflag:s10] =	ssyncadd.s32 $0xFFFFD880  }
0x3c: {  	_ =	sfence.sel $0x180000  }
0x3d: {  	[bflag:$0x0] =	sbarrier.arrive $0xFFFF  }
0x3e: {  	p0 =	sne.s32 s0, $0x0;
	_ =	strace $0x90000050  }
0x3f: {  	s0 =	sadd.s32 @!p0 $0x100000, s1;
	[bflag:$0x2] =	sbarrier.arrive $0xFFFF  }
0x40: {  	[sflag:s0] =	ssyncadd.tile.s32 @!p0 $0x1;
	_ =	shalt  }
.Lfunc_end2:
_tile_overlayer_lowered:
.L_overlay_start_2:
0x41: {  	(tag) =	ssettag $0x2  }
0x42: {  	s0 =	rddreg [dreg:$0x0];
	s2 =	stileid.u32  }
0x43: {  	s1 =	rddreg [dreg:$0x1];
	p0 =	sne.s32 s2, $0x0  }
0x44: {  	s3 =	rddreg [dreg:$0x2];
	[bflag:$0x3] =	sbarrier.arrive $0xFFFF;
	s2 =	simm.s32 @!p0 $0x1C01  }
0x45: {  	[timem:s3], [sflag:s2] =	dma.local @!p0 [hbm:s0], s1  }
0x46: {  	s0 =	simm.s32 @!p0 $0x1  }
0x47: {  	_ =	swait.ge @!p0 [sflag:s0], s1  }
0x48: {  	s1 =	ssub.s32 @!p0 $0x0, s1;
	[sflag:s0] =	ssyncset.done @!p0 $0x0  }
0x49: {  	[sflag:s0] =	ssyncadd.s32 @!p0 s1  }
0x4a: {  	[bflag:$0x3] =	sbarrier.arrive $0xFFFF  }
0x4b: {  	_ =	shalt  }

</sc_bundles>
